<compile_context>
chip_gen: v7x
topology: tpu7x:2x2x1
jax: 0.10.2.dev20260603
libtpu: 0.0.44.dev20260713+nightly
codegen_flags: <defaults>
</compile_context>

<pallas_src>
import math

import jax
import jax.numpy as jnp
from jax import lax
from jax.experimental import pallas as pl
from jax.experimental.pallas import tpu as pltpu
from jax.experimental.pallas import tpu_sc as plsc

ROWS = 128
COLS = 100000
TEMP = 5.0
BC = 2048
NCB = math.ceil(COLS / BC)

WIN = 16
NWIN_ROW = COLS // WIN

_KS0 = 0
_KS1 = 42
_KS2 = 42 ^ 0x1BD11BDA
_ROT_A = (13, 15, 26, 6)
_ROT_B = (17, 29, 16, 24)


def _rounds(x0, x1, rots):
    for r in rots:
        x0 = x0 + x1
        x1 = (x1 << r) | lax.shift_right_logical(x1, 32 - r)
        x1 = x1 ^ x0
    return x0, x1


def _threefry_bits(e):
    x0 = jnp.zeros_like(e) + _KS0
    x1 = e + _KS1
    x0, x1 = _rounds(x0, x1, _ROT_A)
    x0, x1 = x0 + _KS1, x1 + (_KS2 + 1)
    x0, x1 = _rounds(x0, x1, _ROT_B)
    x0, x1 = x0 + _KS2, x1 + (_KS0 + 2)
    x0, x1 = _rounds(x0, x1, _ROT_A)
    x0, x1 = x0 + _KS0, x1 + (_KS1 + 3)
    x0, x1 = _rounds(x0, x1, _ROT_B)
    x0, x1 = x0 + _KS1, x1 + (_KS2 + 4)
    x0, x1 = _rounds(x0, x1, _ROT_A)
    x0, x1 = x0 + _KS2, x1 + (_KS0 + 5)
    return x0 ^ x1


def _argmax_zero_kernel(x_ref, zero_ref, idx_ref, val_ref):
    cb = pl.program_id(0)
    jj = lax.broadcasted_iota(jnp.int32, (ROWS, BC), 1) + cb * BC
    ii = lax.broadcasted_iota(jnp.int32, (ROWS, BC), 0)
    e = ii * COLS + jj
    bits = _threefry_bits(e)
    mant = lax.shift_right_logical(bits, 9) | 0x3F800000
    u = lax.bitcast_convert_type(mant, jnp.float32) - 1.0
    g = -jnp.log(-jnp.log(u + 1e-8) + 1e-8)
    w = (x_ref[...] + g) / TEMP
    w = jnp.where(jj < COLS, w, -jnp.inf)

    zero_ref[...] = jnp.zeros((ROWS, BC), jnp.float32)

    m = jnp.max(w, axis=1, keepdims=True)
    idxb = jnp.min(
        jnp.where(w == m, jj, jnp.int32(2**31 - 1)), axis=1, keepdims=True
    )

    @pl.when(cb == 0)
    def _():
        val_ref[...] = m
        idx_ref[...] = idxb

    @pl.when(cb > 0)
    def _():
        better = m > val_ref[...]
        val_ref[...] = jnp.where(better, m, val_ref[...])
        idx_ref[...] = jnp.where(better, idxb, idx_ref[...])


def _sc_scatter_kernel(idx_hbm, out_hbm, idx_v, src_v, sem):
    wid = lax.axis_index("s") * 2 + lax.axis_index("c")

    @pl.when(wid < ROWS // WIN)
    def _():
        base = wid * WIN
        pltpu.sync_copy(idx_hbm.at[pl.ds(base, WIN)], idx_v)
        vec = idx_v[...]
        lane = lax.iota(jnp.int32, WIN)
        for r in range(WIN):
            p = vec[r] & 15
            src_v[r, :] = jnp.where(lane == p, 1.0, 0.0).astype(jnp.float32)
        copies = []
        for r in range(WIN):
            col = vec[r]
            woff = pl.multiple_of((base + r) * COLS + (col & -16), 16)
            copies.append(
                pltpu.async_copy(src_v.at[r], out_hbm.at[pl.ds(woff, WIN)], sem)
            )
        for c in copies:
            c.wait()


_sc_scatter = pl.kernel(
    _sc_scatter_kernel,
    out_type=(),
    mesh=plsc.VectorSubcoreMesh(core_axis_name="c", subcore_axis_name="s"),
    compiler_params=pltpu.CompilerParams(needs_layout_passes=False),
    scratch_types=[
        pltpu.VMEM((WIN,), jnp.int32),
        pltpu.VMEM((WIN, WIN), jnp.float32),
        pltpu.SemaphoreType.DMA,
    ],
)


@jax.jit
def kernel(logits):
    zeroed, idx = pl.pallas_call(
        _argmax_zero_kernel,
        grid=(NCB,),
        in_specs=[pl.BlockSpec((ROWS, BC), lambda cb: (0, cb))],
        out_specs=[
            pl.BlockSpec((ROWS, BC), lambda cb: (0, cb)),
            pl.BlockSpec((ROWS, 1), lambda cb: (0, 0)),
        ],
        out_shape=[
            jax.ShapeDtypeStruct((ROWS, COLS), jnp.float32),
            jax.ShapeDtypeStruct((ROWS, 1), jnp.int32),
        ],
        scratch_shapes=[pltpu.VMEM((ROWS, 1), jnp.float32)],
    )(logits)
    buf = jax.new_ref(zeroed.reshape(ROWS * COLS))
    _sc_scatter(idx.reshape(ROWS), buf)
    return jax.freeze(buf).reshape(ROWS, COLS)

# --- scband reference (transcript-rebuilt; emitter-appended) ---
"""Pipeline reference for scband-gumbel-softmax-selector-42889543418336 (READ-ONLY COPY).

The authoritative reference and input builder live on the scoring server;
editing this copy changes nothing except your own understanding.
"""

import jax, jax.numpy as jnp
import numpy as np

TEMPERATURE = 5.0


def setup_inputs(seed: int = 0) -> dict:
    key = jax.random.key(seed)
    logits = jax.random.normal(key, (128, 100000), dtype=jnp.float32)
    return {"logits": logits}


def reference(logits):
    # Module is in training mode by default: Gumbel-Softmax with hard straight-through.
    noise_key = jax.random.key(42)
    u = jax.random.uniform(noise_key, logits.shape, dtype=logits.dtype)
    gumbel_noise = -jnp.log(-jnp.log(u + 1e-08) + 1e-08)
    y_soft = jax.nn.softmax((logits + gumbel_noise) / TEMPERATURE, axis=-1)
    max_indices = jnp.argmax(y_soft, axis=-1)
    y_hard = jax.nn.one_hot(max_indices, logits.shape[-1], dtype=y_soft.dtype)
    # straight-through estimator: y_hard - detach(y_soft) + y_soft
    return y_hard - jax.lax.stop_gradient(y_soft) + y_soft

if __name__ == "__main__":
    import jax
    _d = setup_inputs()
    print(jax.jit(kernel)(*tuple(_d.values())))

</pallas_src>

<mosaic_0001>
#map = affine_map<(d0, d1) -> (0)>
module attributes {stable_mosaic.version = 14 : i64} {
  func.func @new_body(%arg0: i32, %arg1: i32, %arg2: memref<128xi32, #tpu.memory_space<hbm>>, %arg3: memref<12800000xf32, #tpu.memory_space<hbm>>, %arg4: memref<12800000xf32, #tpu.memory_space<hbm>>, %arg5: memref<16xi32, #tpu.memory_space<vmem>>, %arg6: memref<16x16xf32, #tpu.memory_space<vmem>>, %arg7: memref<!tpu.dma_semaphore, #tpu.memory_space<semaphore_mem>>) attributes {dimension_semantics = [#tpu.dimension_semantics<core_parallel>, #tpu.dimension_semantics<subcore_parallel>], iteration_bounds = array<i64: 2, 16>, scalar_prefetch = 0 : i64, scratch_operands = 3 : i64, tpu.core_type = #tpu.core_type<sc_vector_subcore>, window_params = [{transform_indices = #map}, {transform_indices = #map}, {transform_indices = #map}]} {
    %mul3A = arith.constant 2 : i32
    %mul3A_0 = arith.muli %arg1, %mul3A : i32
    %add3A = arith.addi %mul3A_0, %arg0 : i32
    %lt3A = arith.constant 8 : i32
    %lt3A_1 = arith.cmpi slt, %add3A, %lt3A : i32
    %convert_element_type3A = arith.extui %lt3A_1 : i1 to i32
    %cond3A = arith.constant 0 : i32
    %cond3A_2 = arith.cmpi ne, %convert_element_type3A, %cond3A : i32
    scf.if %cond3A_2 {
      %mul3A_3 = arith.constant 16 : i32
      %mul3A_4 = arith.muli %add3A, %mul3A_3 : i32
      "tpu.region"() ({
        %run_scoped3A = tpu.sem_alloc : memref<!tpu.dma_semaphore, #tpu.memory_space<semaphore_mem>>
        %dma_start3A_683 = tpu.memref_slice %arg2[%mul3A_4] : memref<128xi32, #tpu.memory_space<hbm>> -> memref<16xi32, #tpu.memory_space<hbm>>
        %dma_start3A_684 = tpu.memref_slice %arg2[%mul3A_4] : memref<128xi32, #tpu.memory_space<hbm>> -> memref<16xi32, #tpu.memory_space<hbm>>
        tpu.enqueue_dma source(%dma_start3A_684 : memref<16xi32, #tpu.memory_space<hbm>>) target(%arg5 : memref<16xi32, #tpu.memory_space<vmem>>) target_semaphore(%run_scoped3A : memref<!tpu.dma_semaphore, #tpu.memory_space<semaphore_mem>>)
        %dma_wait3A_685 = tpu.memref_slice %arg2[%mul3A_4] : memref<128xi32, #tpu.memory_space<hbm>> -> memref<16xi32, #tpu.memory_space<hbm>>
        %dma_wait3A_686 = tpu.memref_slice %arg2[%mul3A_4] : memref<128xi32, #tpu.memory_space<hbm>> -> memref<16xi32, #tpu.memory_space<hbm>>
        tpu.wait_dma2 semaphore(%run_scoped3A : memref<!tpu.dma_semaphore, #tpu.memory_space<semaphore_mem>>) src(%dma_wait3A_686 : memref<16xi32, #tpu.memory_space<hbm>>) dst(%arg5 : memref<16xi32, #tpu.memory_space<vmem>>)
        tpu.yield
      }) : () -> ()
      %get3A = arith.constant 0 : index
      %get3A_5 = tpu.vector_load %arg5[%get3A] {strides = array<i32>} : memref<16xi32, #tpu.memory_space<vmem>>, vector<16xi32>,
      %iota3A = tpu.iota {dimensions = array<i32: 0>} : vector<16xi32>
      %slice3A = vector.extract_strided_slice %get3A_5 {offsets = [0], sizes = [1], strides = [1]} : vector<16xi32> to vector<1xi32>
      %squeeze3A = vector.extract %slice3A[0] : i32 from vector<1xi32>
      %and3A = arith.constant 15 : i32
      %and3A_6 = arith.andi %squeeze3A, %and3A : i32
      %eq3A = vector.broadcast %and3A_6 : i32 to vector<16xi32>
      %eq3A_7 = arith.cmpi eq, %iota3A, %eq3A : vector<16xi32>
      %jit3A = arith.constant 1.000000e+00 : f32
      %jit3A_8 = arith.constant 0.000000e+00 : f32
      %broadcast_in_dim3A = vector.broadcast %jit3A : f32 to vector<16xf32>
      %broadcast_in_dim3A_9 = vector.broadcast %jit3A_8 : f32 to vector<16xf32>
      %select_n3A = arith.select %eq3A_7, %broadcast_in_dim3A, %broadcast_in_dim3A_9 : vector<16xi1>, vector<16xf32>
      %swap3A = arith.constant 0 : i32
      %swap3A_10 = arith.index_cast %swap3A : i32 to index
      %swap3A_11 = arith.constant 0 : index
      %swap3A_12 = tpu.vector_load %arg6[%swap3A_10, %swap3A_11] {strides = array<i32>} : memref<16x16xf32, #tpu.memory_space<vmem>>, vector<16xf32>,
      tpu.vector_store %arg6[%swap3A_10, %swap3A_11], %select_n3A {strides = array<i32>} : memref<16x16xf32, #tpu.memory_space<vmem>>, vector<16xf32>,
      %slice3A_13 = vector.extract_strided_slice %get3A_5 {offsets = [1], sizes = [1], strides = [1]} : vector<16xi32> to vector<1xi32>
      %squeeze3A_14 = vector.extract %slice3A_13[0] : i32 from vector<1xi32>
      %and3A_15 = arith.constant 15 : i32
      %and3A_16 = arith.andi %squeeze3A_14, %and3A_15 : i32
      %eq3A_17 = vector.broadcast %and3A_16 : i32 to vector<16xi32>
      %eq3A_18 = arith.cmpi eq, %iota3A, %eq3A_17 : vector<16xi32>
      %jit3A_19 = arith.constant 1.000000e+00 : f32
      %jit3A_20 = arith.constant 0.000000e+00 : f32
      %broadcast_in_dim3A_21 = vector.broadcast %jit3A_19 : f32 to vector<16xf32>
      %broadcast_in_dim3A_22 = vector.broadcast %jit3A_20 : f32 to vector<16xf32>
      %select_n3A_23 = arith.select %eq3A_18, %broadcast_in_dim3A_21, %broadcast_in_dim3A_22 : vector<16xi1>, vector<16xf32>
      %swap3A_24 = arith.constant 1 : i32
      %swap3A_25 = arith.index_cast %swap3A_24 : i32 to index
      %swap3A_26 = arith.constant 0 : index
      %swap3A_27 = tpu.vector_load %arg6[%swap3A_25, %swap3A_26] {strides = array<i32>} : memref<16x16xf32, #tpu.memory_space<vmem>>, vector<16xf32>,
      tpu.vector_store %arg6[%swap3A_25, %swap3A_26], %select_n3A_23 {strides = array<i32>} : memref<16x16xf32, #tpu.memory_space<vmem>>, vector<16xf32>,
      %slice3A_28 = vector.extract_strided_slice %get3A_5 {offsets = [2], sizes = [1], strides = [1]} : vector<16xi32> to vector<1xi32>
      %squeeze3A_29 = vector.extract %slice3A_28[0] : i32 from vector<1xi32>
      %and3A_30 = arith.constant 15 : i32
      %and3A_31 = arith.andi %squeeze3A_29, %and3A_30 : i32
      %eq3A_32 = vector.broadcast %and3A_31 : i32 to vector<16xi32>
      %eq3A_33 = arith.cmpi eq, %iota3A, %eq3A_32 : vector<16xi32>
      %jit3A_34 = arith.constant 1.000000e+00 : f32
      %jit3A_35 = arith.constant 0.000000e+00 : f32
      %broadcast_in_dim3A_36 = vector.broadcast %jit3A_34 : f32 to vector<16xf32>
      %broadcast_in_dim3A_37 = vector.broadcast %jit3A_35 : f32 to vector<16xf32>
      %select_n3A_38 = arith.select %eq3A_33, %broadcast_in_dim3A_36, %broadcast_in_dim3A_37 : vector<16xi1>, vector<16xf32>
      %swap3A_39 = arith.constant 2 : i32
      %swap3A_40 = arith.index_cast %swap3A_39 : i32 to index
      %swap3A_41 = arith.constant 0 : index
      %swap3A_42 = tpu.vector_load %arg6[%swap3A_40, %swap3A_41] {strides = array<i32>} : memref<16x16xf32, #tpu.memory_space<vmem>>, vector<16xf32>,
      tpu.vector_store %arg6[%swap3A_40, %swap3A_41], %select_n3A_38 {strides = array<i32>} : memref<16x16xf32, #tpu.memory_space<vmem>>, vector<16xf32>,
      %slice3A_43 = vector.extract_strided_slice %get3A_5 {offsets = [3], sizes = [1], strides = [1]} : vector<16xi32> to vector<1xi32>
      %squeeze3A_44 = vector.extract %slice3A_43[0] : i32 from vector<1xi32>
      %and3A_45 = arith.constant 15 : i32
      %and3A_46 = arith.andi %squeeze3A_44, %and3A_45 : i32
      %eq3A_47 = vector.broadcast %and3A_46 : i32 to vector<16xi32>
      %eq3A_48 = arith.cmpi eq, %iota3A, %eq3A_47 : vector<16xi32>
      %jit3A_49 = arith.constant 1.000000e+00 : f32
      %jit3A_50 = arith.constant 0.000000e+00 : f32
      %broadcast_in_dim3A_51 = vector.broadcast %jit3A_49 : f32 to vector<16xf32>
      %broadcast_in_dim3A_52 = vector.broadcast %jit3A_50 : f32 to vector<16xf32>
      %select_n3A_53 = arith.select %eq3A_48, %broadcast_in_dim3A_51, %broadcast_in_dim3A_52 : vector<16xi1>, vector<16xf32>
      %swap3A_54 = arith.constant 3 : i32
      %swap3A_55 = arith.index_cast %swap3A_54 : i32 to index
      %swap3A_56 = arith.constant 0 : index
      %swap3A_57 = tpu.vector_load %arg6[%swap3A_55, %swap3A_56] {strides = array<i32>} : memref<16x16xf32, #tpu.memory_space<vmem>>, vector<16xf32>,
      tpu.vector_store %arg6[%swap3A_55, %swap3A_56], %select_n3A_53 {strides = array<i32>} : memref<16x16xf32, #tpu.memory_space<vmem>>, vector<16xf32>,
      %slice3A_58 = vector.extract_strided_slice %get3A_5 {offsets = [4], sizes = [1], strides = [1]} : vector<16xi32> to vector<1xi32>
      %squeeze3A_59 = vector.extract %slice3A_58[0] : i32 from vector<1xi32>
      %and3A_60 = arith.constant 15 : i32
      %and3A_61 = arith.andi %squeeze3A_59, %and3A_60 : i32
      %eq3A_62 = vector.broadcast %and3A_61 : i32 to vector<16xi32>
      %eq3A_63 = arith.cmpi eq, %iota3A, %eq3A_62 : vector<16xi32>
      %jit3A_64 = arith.constant 1.000000e+00 : f32
      %jit3A_65 = arith.constant 0.000000e+00 : f32
      %broadcast_in_dim3A_66 = vector.broadcast %jit3A_64 : f32 to vector<16xf32>
      %broadcast_in_dim3A_67 = vector.broadcast %jit3A_65 : f32 to vector<16xf32>
      %select_n3A_68 = arith.select %eq3A_63, %broadcast_in_dim3A_66, %broadcast_in_dim3A_67 : vector<16xi1>, vector<16xf32>
      %swap3A_69 = arith.constant 4 : i32
      %swap3A_70 = arith.index_cast %swap3A_69 : i32 to index
      %swap3A_71 = arith.constant 0 : index
      %swap3A_72 = tpu.vector_load %arg6[%swap3A_70, %swap3A_71] {strides = array<i32>} : memref<16x16xf32, #tpu.memory_space<vmem>>, vector<16xf32>,
      tpu.vector_store %arg6[%swap3A_70, %swap3A_71], %select_n3A_68 {strides = array<i32>} : memref<16x16xf32, #tpu.memory_space<vmem>>, vector<16xf32>,
      %slice3A_73 = vector.extract_strided_slice %get3A_5 {offsets = [5], sizes = [1], strides = [1]} : vector<16xi32> to vector<1xi32>
      %squeeze3A_74 = vector.extract %slice3A_73[0] : i32 from vector<1xi32>
      %and3A_75 = arith.constant 15 : i32
      %and3A_76 = arith.andi %squeeze3A_74, %and3A_75 : i32
      %eq3A_77 = vector.broadcast %and3A_76 : i32 to vector<16xi32>
      %eq3A_78 = arith.cmpi eq, %iota3A, %eq3A_77 : vector<16xi32>
      %jit3A_79 = arith.constant 1.000000e+00 : f32
      %jit3A_80 = arith.constant 0.000000e+00 : f32
      %broadcast_in_dim3A_81 = vector.broadcast %jit3A_79 : f32 to vector<16xf32>
      %broadcast_in_dim3A_82 = vector.broadcast %jit3A_80 : f32 to vector<16xf32>
      %select_n3A_83 = arith.select %eq3A_78, %broadcast_in_dim3A_81, %broadcast_in_dim3A_82 : vector<16xi1>, vector<16xf32>
      %swap3A_84 = arith.constant 5 : i32
      %swap3A_85 = arith.index_cast %swap3A_84 : i32 to index
      %swap3A_86 = arith.constant 0 : index
      %swap3A_87 = tpu.vector_load %arg6[%swap3A_85, %swap3A_86] {strides = array<i32>} : memref<16x16xf32, #tpu.memory_space<vmem>>, vector<16xf32>,
      tpu.vector_store %arg6[%swap3A_85, %swap3A_86], %select_n3A_83 {strides = array<i32>} : memref<16x16xf32, #tpu.memory_space<vmem>>, vector<16xf32>,
      %slice3A_88 = vector.extract_strided_slice %get3A_5 {offsets = [6], sizes = [1], strides = [1]} : vector<16xi32> to vector<1xi32>
      %squeeze3A_89 = vector.extract %slice3A_88[0] : i32 from vector<1xi32>
      %and3A_90 = arith.constant 15 : i32
      %and3A_91 = arith.andi %squeeze3A_89, %and3A_90 : i32
      %eq3A_92 = vector.broadcast %and3A_91 : i32 to vector<16xi32>
      %eq3A_93 = arith.cmpi eq, %iota3A, %eq3A_92 : vector<16xi32>
      %jit3A_94 = arith.constant 1.000000e+00 : f32
      %jit3A_95 = arith.constant 0.000000e+00 : f32
      %broadcast_in_dim3A_96 = vector.broadcast %jit3A_94 : f32 to vector<16xf32>
      %broadcast_in_dim3A_97 = vector.broadcast %jit3A_95 : f32 to vector<16xf32>
      %select_n3A_98 = arith.select %eq3A_93, %broadcast_in_dim3A_96, %broadcast_in_dim3A_97 : vector<16xi1>, vector<16xf32>
      %swap3A_99 = arith.constant 6 : i32
      %swap3A_100 = arith.index_cast %swap3A_99 : i32 to index
      %swap3A_101 = arith.constant 0 : index
      %swap3A_102 = tpu.vector_load %arg6[%swap3A_100, %swap3A_101] {strides = array<i32>} : memref<16x16xf32, #tpu.memory_space<vmem>>, vector<16xf32>,
      tpu.vector_store %arg6[%swap3A_100, %swap3A_101], %select_n3A_98 {strides = array<i32>} : memref<16x16xf32, #tpu.memory_space<vmem>>, vector<16xf32>,
      %slice3A_103 = vector.extract_strided_slice %get3A_5 {offsets = [7], sizes = [1], strides = [1]} : vector<16xi32> to vector<1xi32>
      %squeeze3A_104 = vector.extract %slice3A_103[0] : i32 from vector<1xi32>
      %and3A_105 = arith.constant 15 : i32
      %and3A_106 = arith.andi %squeeze3A_104, %and3A_105 : i32
      %eq3A_107 = vector.broadcast %and3A_106 : i32 to vector<16xi32>
      %eq3A_108 = arith.cmpi eq, %iota3A, %eq3A_107 : vector<16xi32>
      %jit3A_109 = arith.constant 1.000000e+00 : f32
      %jit3A_110 = arith.constant 0.000000e+00 : f32
      %broadcast_in_dim3A_111 = vector.broadcast %jit3A_109 : f32 to vector<16xf32>
      %broadcast_in_dim3A_112 = vector.broadcast %jit3A_110 : f32 to vector<16xf32>
      %select_n3A_113 = arith.select %eq3A_108, %broadcast_in_dim3A_111, %broadcast_in_dim3A_112 : vector<16xi1>, vector<16xf32>
      %swap3A_114 = arith.constant 7 : i32
      %swap3A_115 = arith.index_cast %swap3A_114 : i32 to index
      %swap3A_116 = arith.constant 0 : index
      %swap3A_117 = tpu.vector_load %arg6[%swap3A_115, %swap3A_116] {strides = array<i32>} : memref<16x16xf32, #tpu.memory_space<vmem>>, vector<16xf32>,
      tpu.vector_store %arg6[%swap3A_115, %swap3A_116], %select_n3A_113 {strides = array<i32>} : memref<16x16xf32, #tpu.memory_space<vmem>>, vector<16xf32>,
      %slice3A_118 = vector.extract_strided_slice %get3A_5 {offsets = [8], sizes = [1], strides = [1]} : vector<16xi32> to vector<1xi32>
      %squeeze3A_119 = vector.extract %slice3A_118[0] : i32 from vector<1xi32>
      %and3A_120 = arith.constant 15 : i32
      %and3A_121 = arith.andi %squeeze3A_119, %and3A_120 : i32
      %eq3A_122 = vector.broadcast %and3A_121 : i32 to vector<16xi32>
      %eq3A_123 = arith.cmpi eq, %iota3A, %eq3A_122 : vector<16xi32>
      %jit3A_124 = arith.constant 1.000000e+00 : f32
      %jit3A_125 = arith.constant 0.000000e+00 : f32
      %broadcast_in_dim3A_126 = vector.broadcast %jit3A_124 : f32 to vector<16xf32>
      %broadcast_in_dim3A_127 = vector.broadcast %jit3A_125 : f32 to vector<16xf32>
      %select_n3A_128 = arith.select %eq3A_123, %broadcast_in_dim3A_126, %broadcast_in_dim3A_127 : vector<16xi1>, vector<16xf32>
      %swap3A_129 = arith.constant 8 : i32
      %swap3A_130 = arith.index_cast %swap3A_129 : i32 to index
      %swap3A_131 = arith.constant 0 : index
      %swap3A_132 = tpu.vector_load %arg6[%swap3A_130, %swap3A_131] {strides = array<i32>} : memref<16x16xf32, #tpu.memory_space<vmem>>, vector<16xf32>,
      tpu.vector_store %arg6[%swap3A_130, %swap3A_131], %select_n3A_128 {strides = array<i32>} : memref<16x16xf32, #tpu.memory_space<vmem>>, vector<16xf32>,
      %slice3A_133 = vector.extract_strided_slice %get3A_5 {offsets = [9], sizes = [1], strides = [1]} : vector<16xi32> to vector<1xi32>
      %squeeze3A_134 = vector.extract %slice3A_133[0] : i32 from vector<1xi32>
      %and3A_135 = arith.constant 15 : i32
      %and3A_136 = arith.andi %squeeze3A_134, %and3A_135 : i32
      %eq3A_137 = vector.broadcast %and3A_136 : i32 to vector<16xi32>
      %eq3A_138 = arith.cmpi eq, %iota3A, %eq3A_137 : vector<16xi32>
      %jit3A_139 = arith.constant 1.000000e+00 : f32
      %jit3A_140 = arith.constant 0.000000e+00 : f32
      %broadcast_in_dim3A_141 = vector.broadcast %jit3A_139 : f32 to vector<16xf32>
      %broadcast_in_dim3A_142 = vector.broadcast %jit3A_140 : f32 to vector<16xf32>
      %select_n3A_143 = arith.select %eq3A_138, %broadcast_in_dim3A_141, %broadcast_in_dim3A_142 : vector<16xi1>, vector<16xf32>
      %swap3A_144 = arith.constant 9 : i32
      %swap3A_145 = arith.index_cast %swap3A_144 : i32 to index
      %swap3A_146 = arith.constant 0 : index
      %swap3A_147 = tpu.vector_load %arg6[%swap3A_145, %swap3A_146] {strides = array<i32>} : memref<16x16xf32, #tpu.memory_space<vmem>>, vector<16xf32>,
      tpu.vector_store %arg6[%swap3A_145, %swap3A_146], %select_n3A_143 {strides = array<i32>} : memref<16x16xf32, #tpu.memory_space<vmem>>, vector<16xf32>,
      %slice3A_148 = vector.extract_strided_slice %get3A_5 {offsets = [10], sizes = [1], strides = [1]} : vector<16xi32> to vector<1xi32>
      %squeeze3A_149 = vector.extract %slice3A_148[0] : i32 from vector<1xi32>
      %and3A_150 = arith.constant 15 : i32
      %and3A_151 = arith.andi %squeeze3A_149, %and3A_150 : i32
      %eq3A_152 = vector.broadcast %and3A_151 : i32 to vector<16xi32>
      %eq3A_153 = arith.cmpi eq, %iota3A, %eq3A_152 : vector<16xi32>
      %jit3A_154 = arith.constant 1.000000e+00 : f32
      %jit3A_155 = arith.constant 0.000000e+00 : f32
      %broadcast_in_dim3A_156 = vector.broadcast %jit3A_154 : f32 to vector<16xf32>
      %broadcast_in_dim3A_157 = vector.broadcast %jit3A_155 : f32 to vector<16xf32>
      %select_n3A_158 = arith.select %eq3A_153, %broadcast_in_dim3A_156, %broadcast_in_dim3A_157 : vector<16xi1>, vector<16xf32>
      %swap3A_159 = arith.constant 10 : i32
      %swap3A_160 = arith.index_cast %swap3A_159 : i32 to index
      %swap3A_161 = arith.constant 0 : index
      %swap3A_162 = tpu.vector_load %arg6[%swap3A_160, %swap3A_161] {strides = array<i32>} : memref<16x16xf32, #tpu.memory_space<vmem>>, vector<16xf32>,
      tpu.vector_store %arg6[%swap3A_160, %swap3A_161], %select_n3A_158 {strides = array<i32>} : memref<16x16xf32, #tpu.memory_space<vmem>>, vector<16xf32>,
      %slice3A_163 = vector.extract_strided_slice %get3A_5 {offsets = [11], sizes = [1], strides = [1]} : vector<16xi32> to vector<1xi32>
      %squeeze3A_164 = vector.extract %slice3A_163[0] : i32 from vector<1xi32>
      %and3A_165 = arith.constant 15 : i32
      %and3A_166 = arith.andi %squeeze3A_164, %and3A_165 : i32
      %eq3A_167 = vector.broadcast %and3A_166 : i32 to vector<16xi32>
      %eq3A_168 = arith.cmpi eq, %iota3A, %eq3A_167 : vector<16xi32>
      %jit3A_169 = arith.constant 1.000000e+00 : f32
      %jit3A_170 = arith.constant 0.000000e+00 : f32
      %broadcast_in_dim3A_171 = vector.broadcast %jit3A_169 : f32 to vector<16xf32>
      %broadcast_in_dim3A_172 = vector.broadcast %jit3A_170 : f32 to vector<16xf32>
      %select_n3A_173 = arith.select %eq3A_168, %broadcast_in_dim3A_171, %broadcast_in_dim3A_172 : vector<16xi1>, vector<16xf32>
      %swap3A_174 = arith.constant 11 : i32
      %swap3A_175 = arith.index_cast %swap3A_174 : i32 to index
      %swap3A_176 = arith.constant 0 : index
      %swap3A_177 = tpu.vector_load %arg6[%swap3A_175, %swap3A_176] {strides = array<i32>} : memref<16x16xf32, #tpu.memory_space<vmem>>, vector<16xf32>,
      tpu.vector_store %arg6[%swap3A_175, %swap3A_176], %select_n3A_173 {strides = array<i32>} : memref<16x16xf32, #tpu.memory_space<vmem>>, vector<16xf32>,
      %slice3A_178 = vector.extract_strided_slice %get3A_5 {offsets = [12], sizes = [1], strides = [1]} : vector<16xi32> to vector<1xi32>
      %squeeze3A_179 = vector.extract %slice3A_178[0] : i32 from vector<1xi32>
      %and3A_180 = arith.constant 15 : i32
      %and3A_181 = arith.andi %squeeze3A_179, %and3A_180 : i32
      %eq3A_182 = vector.broadcast %and3A_181 : i32 to vector<16xi32>
      %eq3A_183 = arith.cmpi eq, %iota3A, %eq3A_182 : vector<16xi32>
      %jit3A_184 = arith.constant 1.000000e+00 : f32
      %jit3A_185 = arith.constant 0.000000e+00 : f32
      %broadcast_in_dim3A_186 = vector.broadcast %jit3A_184 : f32 to vector<16xf32>
      %broadcast_in_dim3A_187 = vector.broadcast %jit3A_185 : f32 to vector<16xf32>
      %select_n3A_188 = arith.select %eq3A_183, %broadcast_in_dim3A_186, %broadcast_in_dim3A_187 : vector<16xi1>, vector<16xf32>
      %swap3A_189 = arith.constant 12 : i32
      %swap3A_190 = arith.index_cast %swap3A_189 : i32 to index
      %swap3A_191 = arith.constant 0 : index
      %swap3A_192 = tpu.vector_load %arg6[%swap3A_190, %swap3A_191] {strides = array<i32>} : memref<16x16xf32, #tpu.memory_space<vmem>>, vector<16xf32>,
      tpu.vector_store %arg6[%swap3A_190, %swap3A_191], %select_n3A_188 {strides = array<i32>} : memref<16x16xf32, #tpu.memory_space<vmem>>, vector<16xf32>,
      %slice3A_193 = vector.extract_strided_slice %get3A_5 {offsets = [13], sizes = [1], strides = [1]} : vector<16xi32> to vector<1xi32>
      %squeeze3A_194 = vector.extract %slice3A_193[0] : i32 from vector<1xi32>
      %and3A_195 = arith.constant 15 : i32
      %and3A_196 = arith.andi %squeeze3A_194, %and3A_195 : i32
      %eq3A_197 = vector.broadcast %and3A_196 : i32 to vector<16xi32>
      %eq3A_198 = arith.cmpi eq, %iota3A, %eq3A_197 : vector<16xi32>
      %jit3A_199 = arith.constant 1.000000e+00 : f32
      %jit3A_200 = arith.constant 0.000000e+00 : f32
      %broadcast_in_dim3A_201 = vector.broadcast %jit3A_199 : f32 to vector<16xf32>
      %broadcast_in_dim3A_202 = vector.broadcast %jit3A_200 : f32 to vector<16xf32>
      %select_n3A_203 = arith.select %eq3A_198, %broadcast_in_dim3A_201, %broadcast_in_dim3A_202 : vector<16xi1>, vector<16xf32>
      %swap3A_204 = arith.constant 13 : i32
      %swap3A_205 = arith.index_cast %swap3A_204 : i32 to index
      %swap3A_206 = arith.constant 0 : index
      %swap3A_207 = tpu.vector_load %arg6[%swap3A_205, %swap3A_206] {strides = array<i32>} : memref<16x16xf32, #tpu.memory_space<vmem>>, vector<16xf32>,
      tpu.vector_store %arg6[%swap3A_205, %swap3A_206], %select_n3A_203 {strides = array<i32>} : memref<16x16xf32, #tpu.memory_space<vmem>>, vector<16xf32>,
      %slice3A_208 = vector.extract_strided_slice %get3A_5 {offsets = [14], sizes = [1], strides = [1]} : vector<16xi32> to vector<1xi32>
      %squeeze3A_209 = vector.extract %slice3A_208[0] : i32 from vector<1xi32>
      %and3A_210 = arith.constant 15 : i32
      %and3A_211 = arith.andi %squeeze3A_209, %and3A_210 : i32
      %eq3A_212 = vector.broadcast %and3A_211 : i32 to vector<16xi32>
      %eq3A_213 = arith.cmpi eq, %iota3A, %eq3A_212 : vector<16xi32>
      %jit3A_214 = arith.constant 1.000000e+00 : f32
      %jit3A_215 = arith.constant 0.000000e+00 : f32
      %broadcast_in_dim3A_216 = vector.broadcast %jit3A_214 : f32 to vector<16xf32>
      %broadcast_in_dim3A_217 = vector.broadcast %jit3A_215 : f32 to vector<16xf32>
      %select_n3A_218 = arith.select %eq3A_213, %broadcast_in_dim3A_216, %broadcast_in_dim3A_217 : vector<16xi1>, vector<16xf32>
      %swap3A_219 = arith.constant 14 : i32
      %swap3A_220 = arith.index_cast %swap3A_219 : i32 to index
      %swap3A_221 = arith.constant 0 : index
      %swap3A_222 = tpu.vector_load %arg6[%swap3A_220, %swap3A_221] {strides = array<i32>} : memref<16x16xf32, #tpu.memory_space<vmem>>, vector<16xf32>,
      tpu.vector_store %arg6[%swap3A_220, %swap3A_221], %select_n3A_218 {strides = array<i32>} : memref<16x16xf32, #tpu.memory_space<vmem>>, vector<16xf32>,
      %slice3A_223 = vector.extract_strided_slice %get3A_5 {offsets = [15], sizes = [1], strides = [1]} : vector<16xi32> to vector<1xi32>
      %squeeze3A_224 = vector.extract %slice3A_223[0] : i32 from vector<1xi32>
      %and3A_225 = arith.constant 15 : i32
      %and3A_226 = arith.andi %squeeze3A_224, %and3A_225 : i32
      %eq3A_227 = vector.broadcast %and3A_226 : i32 to vector<16xi32>
      %eq3A_228 = arith.cmpi eq, %iota3A, %eq3A_227 : vector<16xi32>
      %jit3A_229 = arith.constant 1.000000e+00 : f32
      %jit3A_230 = arith.constant 0.000000e+00 : f32
      %broadcast_in_dim3A_231 = vector.broadcast %jit3A_229 : f32 to vector<16xf32>
      %broadcast_in_dim3A_232 = vector.broadcast %jit3A_230 : f32 to vector<16xf32>
      %select_n3A_233 = arith.select %eq3A_228, %broadcast_in_dim3A_231, %broadcast_in_dim3A_232 : vector<16xi1>, vector<16xf32>
      %swap3A_234 = arith.constant 15 : i32
      %swap3A_235 = arith.index_cast %swap3A_234 : i32 to index
      %swap3A_236 = arith.constant 0 : index
      %swap3A_237 = tpu.vector_load %arg6[%swap3A_235, %swap3A_236] {strides = array<i32>} : memref<16x16xf32, #tpu.memory_space<vmem>>, vector<16xf32>,
      tpu.vector_store %arg6[%swap3A_235, %swap3A_236], %select_n3A_233 {strides = array<i32>} : memref<16x16xf32, #tpu.memory_space<vmem>>, vector<16xf32>,
      %slice3A_238 = vector.extract_strided_slice %get3A_5 {offsets = [0], sizes = [1], strides = [1]} : vector<16xi32> to vector<1xi32>
      %squeeze3A_239 = vector.extract %slice3A_238[0] : i32 from vector<1xi32>
      %add3A_240 = arith.constant 0 : i32
      %add3A_241 = arith.addi %mul3A_4, %add3A_240 : i32
      %mul3A_242 = arith.constant 100000 : i32
      %mul3A_243 = arith.muli %add3A_241, %mul3A_242 : i32
      %and3A_244 = arith.constant -16 : i32
      %and3A_245 = arith.andi %squeeze3A_239, %and3A_244 : i32
      %add3A_246 = arith.addi %mul3A_243, %and3A_245 : i32
      %multiple_of3A = tpu.assume_multiple %add3A_246, 16 : i32
      %dma_start3A = arith.constant 0 : i32
      %dma_start3A_247 = arith.constant 0 : i32
      %dma_start3A_248 = tpu.memref_slice %arg6[%dma_start3A, %dma_start3A_247] : memref<16x16xf32, #tpu.memory_space<vmem>> -> memref<1x16xf32, #tpu.memory_space<vmem>>
      %dma_start3A_249 = tpu.memref_squeeze %dma_start3A_248 : memref<1x16xf32, #tpu.memory_space<vmem>> -> memref<16xf32, #tpu.memory_space<vmem>>
      %dma_start3A_250 = tpu.memref_slice %arg3[%multiple_of3A] : memref<12800000xf32, #tpu.memory_space<hbm>> -> memref<16xf32, #tpu.memory_space<hbm>>
      %dma_start3A_251 = tpu.memref_slice %arg3[%multiple_of3A] : memref<12800000xf32, #tpu.memory_space<hbm>> -> memref<16xf32, #tpu.memory_space<hbm>>
      %dma_start3A_252 = arith.constant 0 : i32
      %dma_start3A_253 = tpu.memref_slice %arg6[%dma_start3A, %dma_start3A_252] : memref<16x16xf32, #tpu.memory_space<vmem>> -> memref<1x16xf32, #tpu.memory_space<vmem>>
      %dma_start3A_254 = tpu.memref_squeeze %dma_start3A_253 : memref<1x16xf32, #tpu.memory_space<vmem>> -> memref<16xf32, #tpu.memory_space<vmem>>
      tpu.enqueue_dma source(%dma_start3A_254 : memref<16xf32, #tpu.memory_space<vmem>>) target(%dma_start3A_251 : memref<16xf32, #tpu.memory_space<hbm>>) target_semaphore(%arg7 : memref<!tpu.dma_semaphore, #tpu.memory_space<semaphore_mem>>)
      %slice3A_255 = vector.extract_strided_slice %get3A_5 {offsets = [1], sizes = [1], strides = [1]} : vector<16xi32> to vector<1xi32>
      %squeeze3A_256 = vector.extract %slice3A_255[0] : i32 from vector<1xi32>
      %add3A_257 = arith.constant 1 : i32
      %add3A_258 = arith.addi %mul3A_4, %add3A_257 : i32
      %mul3A_259 = arith.constant 100000 : i32
      %mul3A_260 = arith.muli %add3A_258, %mul3A_259 : i32
      %and3A_261 = arith.constant -16 : i32
      %and3A_262 = arith.andi %squeeze3A_256, %and3A_261 : i32
      %add3A_263 = arith.addi %mul3A_260, %and3A_262 : i32
      %multiple_of3A_264 = tpu.assume_multiple %add3A_263, 16 : i32
      %dma_start3A_265 = arith.constant 1 : i32
      %dma_start3A_266 = arith.constant 0 : i32
      %dma_start3A_267 = tpu.memref_slice %arg6[%dma_start3A_265, %dma_start3A_266] : memref<16x16xf32, #tpu.memory_space<vmem>> -> memref<1x16xf32, #tpu.memory_space<vmem>>
      %dma_start3A_268 = tpu.memref_squeeze %dma_start3A_267 : memref<1x16xf32, #tpu.memory_space<vmem>> -> memref<16xf32, #tpu.memory_space<vmem>>
      %dma_start3A_269 = tpu.memref_slice %arg3[%multiple_of3A_264] : memref<12800000xf32, #tpu.memory_space<hbm>> -> memref<16xf32, #tpu.memory_space<hbm>>
      %dma_start3A_270 = tpu.memref_slice %arg3[%multiple_of3A_264] : memref<12800000xf32, #tpu.memory_space<hbm>> -> memref<16xf32, #tpu.memory_space<hbm>>
      %dma_start3A_271 = arith.constant 0 : i32
      %dma_start3A_272 = tpu.memref_slice %arg6[%dma_start3A_265, %dma_start3A_271] : memref<16x16xf32, #tpu.memory_space<vmem>> -> memref<1x16xf32, #tpu.memory_space<vmem>>
      %dma_start3A_273 = tpu.memref_squeeze %dma_start3A_272 : memref<1x16xf32, #tpu.memory_space<vmem>> -> memref<16xf32, #tpu.memory_space<vmem>>
      tpu.enqueue_dma source(%dma_start3A_273 : memref<16xf32, #tpu.memory_space<vmem>>) target(%dma_start3A_270 : memref<16xf32, #tpu.memory_space<hbm>>) target_semaphore(%arg7 : memref<!tpu.dma_semaphore, #tpu.memory_space<semaphore_mem>>)
      %slice3A_274 = vector.extract_strided_slice %get3A_5 {offsets = [2], sizes = [1], strides = [1]} : vector<16xi32> to vector<1xi32>
      %squeeze3A_275 = vector.extract %slice3A_274[0] : i32 from vector<1xi32>
      %add3A_276 = arith.constant 2 : i32
      %add3A_277 = arith.addi %mul3A_4, %add3A_276 : i32
      %mul3A_278 = arith.constant 100000 : i32
      %mul3A_279 = arith.muli %add3A_277, %mul3A_278 : i32
      %and3A_280 = arith.constant -16 : i32
      %and3A_281 = arith.andi %squeeze3A_275, %and3A_280 : i32
      %add3A_282 = arith.addi %mul3A_279, %and3A_281 : i32
      %multiple_of3A_283 = tpu.assume_multiple %add3A_282, 16 : i32
      %dma_start3A_284 = arith.constant 2 : i32
      %dma_start3A_285 = arith.constant 0 : i32
      %dma_start3A_286 = tpu.memref_slice %arg6[%dma_start3A_284, %dma_start3A_285] : memref<16x16xf32, #tpu.memory_space<vmem>> -> memref<1x16xf32, #tpu.memory_space<vmem>>
      %dma_start3A_287 = tpu.memref_squeeze %dma_start3A_286 : memref<1x16xf32, #tpu.memory_space<vmem>> -> memref<16xf32, #tpu.memory_space<vmem>>
      %dma_start3A_288 = tpu.memref_slice %arg3[%multiple_of3A_283] : memref<12800000xf32, #tpu.memory_space<hbm>> -> memref<16xf32, #tpu.memory_space<hbm>>
      %dma_start3A_289 = tpu.memref_slice %arg3[%multiple_of3A_283] : memref<12800000xf32, #tpu.memory_space<hbm>> -> memref<16xf32, #tpu.memory_space<hbm>>
      %dma_start3A_290 = arith.constant 0 : i32
      %dma_start3A_291 = tpu.memref_slice %arg6[%dma_start3A_284, %dma_start3A_290] : memref<16x16xf32, #tpu.memory_space<vmem>> -> memref<1x16xf32, #tpu.memory_space<vmem>>
      %dma_start3A_292 = tpu.memref_squeeze %dma_start3A_291 : memref<1x16xf32, #tpu.memory_space<vmem>> -> memref<16xf32, #tpu.memory_space<vmem>>
      tpu.enqueue_dma source(%dma_start3A_292 : memref<16xf32, #tpu.memory_space<vmem>>) target(%dma_start3A_289 : memref<16xf32, #tpu.memory_space<hbm>>) target_semaphore(%arg7 : memref<!tpu.dma_semaphore, #tpu.memory_space<semaphore_mem>>)
      %slice3A_293 = vector.extract_strided_slice %get3A_5 {offsets = [3], sizes = [1], strides = [1]} : vector<16xi32> to vector<1xi32>
      %squeeze3A_294 = vector.extract %slice3A_293[0] : i32 from vector<1xi32>
      %add3A_295 = arith.constant 3 : i32
      %add3A_296 = arith.addi %mul3A_4, %add3A_295 : i32
      %mul3A_297 = arith.constant 100000 : i32
      %mul3A_298 = arith.muli %add3A_296, %mul3A_297 : i32
      %and3A_299 = arith.constant -16 : i32
      %and3A_300 = arith.andi %squeeze3A_294, %and3A_299 : i32
      %add3A_301 = arith.addi %mul3A_298, %and3A_300 : i32
      %multiple_of3A_302 = tpu.assume_multiple %add3A_301, 16 : i32
      %dma_start3A_303 = arith.constant 3 : i32
      %dma_start3A_304 = arith.constant 0 : i32
      %dma_start3A_305 = tpu.memref_slice %arg6[%dma_start3A_303, %dma_start3A_304] : memref<16x16xf32, #tpu.memory_space<vmem>> -> memref<1x16xf32, #tpu.memory_space<vmem>>
      %dma_start3A_306 = tpu.memref_squeeze %dma_start3A_305 : memref<1x16xf32, #tpu.memory_space<vmem>> -> memref<16xf32, #tpu.memory_space<vmem>>
      %dma_start3A_307 = tpu.memref_slice %arg3[%multiple_of3A_302] : memref<12800000xf32, #tpu.memory_space<hbm>> -> memref<16xf32, #tpu.memory_space<hbm>>
      %dma_start3A_308 = tpu.memref_slice %arg3[%multiple_of3A_302] : memref<12800000xf32, #tpu.memory_space<hbm>> -> memref<16xf32, #tpu.memory_space<hbm>>
      %dma_start3A_309 = arith.constant 0 : i32
      %dma_start3A_310 = tpu.memref_slice %arg6[%dma_start3A_303, %dma_start3A_309] : memref<16x16xf32, #tpu.memory_space<vmem>> -> memref<1x16xf32, #tpu.memory_space<vmem>>
      %dma_start3A_311 = tpu.memref_squeeze %dma_start3A_310 : memref<1x16xf32, #tpu.memory_space<vmem>> -> memref<16xf32, #tpu.memory_space<vmem>>
      tpu.enqueue_dma source(%dma_start3A_311 : memref<16xf32, #tpu.memory_space<vmem>>) target(%dma_start3A_308 : memref<16xf32, #tpu.memory_space<hbm>>) target_semaphore(%arg7 : memref<!tpu.dma_semaphore, #tpu.memory_space<semaphore_mem>>)
      %slice3A_312 = vector.extract_strided_slice %get3A_5 {offsets = [4], sizes = [1], strides = [1]} : vector<16xi32> to vector<1xi32>
      %squeeze3A_313 = vector.extract %slice3A_312[0] : i32 from vector<1xi32>
      %add3A_314 = arith.constant 4 : i32
      %add3A_315 = arith.addi %mul3A_4, %add3A_314 : i32
      %mul3A_316 = arith.constant 100000 : i32
      %mul3A_317 = arith.muli %add3A_315, %mul3A_316 : i32
      %and3A_318 = arith.constant -16 : i32
      %and3A_319 = arith.andi %squeeze3A_313, %and3A_318 : i32
      %add3A_320 = arith.addi %mul3A_317, %and3A_319 : i32
      %multiple_of3A_321 = tpu.assume_multiple %add3A_320, 16 : i32
      %dma_start3A_322 = arith.constant 4 : i32
      %dma_start3A_323 = arith.constant 0 : i32
      %dma_start3A_324 = tpu.memref_slice %arg6[%dma_start3A_322, %dma_start3A_323] : memref<16x16xf32, #tpu.memory_space<vmem>> -> memref<1x16xf32, #tpu.memory_space<vmem>>
      %dma_start3A_325 = tpu.memref_squeeze %dma_start3A_324 : memref<1x16xf32, #tpu.memory_space<vmem>> -> memref<16xf32, #tpu.memory_space<vmem>>
      %dma_start3A_326 = tpu.memref_slice %arg3[%multiple_of3A_321] : memref<12800000xf32, #tpu.memory_space<hbm>> -> memref<16xf32, #tpu.memory_space<hbm>>
      %dma_start3A_327 = tpu.memref_slice %arg3[%multiple_of3A_321] : memref<12800000xf32, #tpu.memory_space<hbm>> -> memref<16xf32, #tpu.memory_space<hbm>>
      %dma_start3A_328 = arith.constant 0 : i32
      %dma_start3A_329 = tpu.memref_slice %arg6[%dma_start3A_322, %dma_start3A_328] : memref<16x16xf32, #tpu.memory_space<vmem>> -> memref<1x16xf32, #tpu.memory_space<vmem>>
      %dma_start3A_330 = tpu.memref_squeeze %dma_start3A_329 : memref<1x16xf32, #tpu.memory_space<vmem>> -> memref<16xf32, #tpu.memory_space<vmem>>
      tpu.enqueue_dma source(%dma_start3A_330 : memref<16xf32, #tpu.memory_space<vmem>>) target(%dma_start3A_327 : memref<16xf32, #tpu.memory_space<hbm>>) target_semaphore(%arg7 : memref<!tpu.dma_semaphore, #tpu.memory_space<semaphore_mem>>)
      %slice3A_331 = vector.extract_strided_slice %get3A_5 {offsets = [5], sizes = [1], strides = [1]} : vector<16xi32> to vector<1xi32>
      %squeeze3A_332 = vector.extract %slice3A_331[0] : i32 from vector<1xi32>
      %add3A_333 = arith.constant 5 : i32
      %add3A_334 = arith.addi %mul3A_4, %add3A_333 : i32
      %mul3A_335 = arith.constant 100000 : i32
      %mul3A_336 = arith.muli %add3A_334, %mul3A_335 : i32
      %and3A_337 = arith.constant -16 : i32
      %and3A_338 = arith.andi %squeeze3A_332, %and3A_337 : i32
      %add3A_339 = arith.addi %mul3A_336, %and3A_338 : i32
      %multiple_of3A_340 = tpu.assume_multiple %add3A_339, 16 : i32
      %dma_start3A_341 = arith.constant 5 : i32
      %dma_start3A_342 = arith.constant 0 : i32
      %dma_start3A_343 = tpu.memref_slice %arg6[%dma_start3A_341, %dma_start3A_342] : memref<16x16xf32, #tpu.memory_space<vmem>> -> memref<1x16xf32, #tpu.memory_space<vmem>>
      %dma_start3A_344 = tpu.memref_squeeze %dma_start3A_343 : memref<1x16xf32, #tpu.memory_space<vmem>> -> memref<16xf32, #tpu.memory_space<vmem>>
      %dma_start3A_345 = tpu.memref_slice %arg3[%multiple_of3A_340] : memref<12800000xf32, #tpu.memory_space<hbm>> -> memref<16xf32, #tpu.memory_space<hbm>>
      %dma_start3A_346 = tpu.memref_slice %arg3[%multiple_of3A_340] : memref<12800000xf32, #tpu.memory_space<hbm>> -> memref<16xf32, #tpu.memory_space<hbm>>
      %dma_start3A_347 = arith.constant 0 : i32
      %dma_start3A_348 = tpu.memref_slice %arg6[%dma_start3A_341, %dma_start3A_347] : memref<16x16xf32, #tpu.memory_space<vmem>> -> memref<1x16xf32, #tpu.memory_space<vmem>>
      %dma_start3A_349 = tpu.memref_squeeze %dma_start3A_348 : memref<1x16xf32, #tpu.memory_space<vmem>> -> memref<16xf32, #tpu.memory_space<vmem>>
      tpu.enqueue_dma source(%dma_start3A_349 : memref<16xf32, #tpu.memory_space<vmem>>) target(%dma_start3A_346 : memref<16xf32, #tpu.memory_space<hbm>>) target_semaphore(%arg7 : memref<!tpu.dma_semaphore, #tpu.memory_space<semaphore_mem>>)
      %slice3A_350 = vector.extract_strided_slice %get3A_5 {offsets = [6], sizes = [1], strides = [1]} : vector<16xi32> to vector<1xi32>
      %squeeze3A_351 = vector.extract %slice3A_350[0] : i32 from vector<1xi32>
      %add3A_352 = arith.constant 6 : i32
      %add3A_353 = arith.addi %mul3A_4, %add3A_352 : i32
      %mul3A_354 = arith.constant 100000 : i32
      %mul3A_355 = arith.muli %add3A_353, %mul3A_354 : i32
      %and3A_356 = arith.constant -16 : i32
      %and3A_357 = arith.andi %squeeze3A_351, %and3A_356 : i32
      %add3A_358 = arith.addi %mul3A_355, %and3A_357 : i32
      %multiple_of3A_359 = tpu.assume_multiple %add3A_358, 16 : i32
      %dma_start3A_360 = arith.constant 6 : i32
      %dma_start3A_361 = arith.constant 0 : i32
      %dma_start3A_362 = tpu.memref_slice %arg6[%dma_start3A_360, %dma_start3A_361] : memref<16x16xf32, #tpu.memory_space<vmem>> -> memref<1x16xf32, #tpu.memory_space<vmem>>
      %dma_start3A_363 = tpu.memref_squeeze %dma_start3A_362 : memref<1x16xf32, #tpu.memory_space<vmem>> -> memref<16xf32, #tpu.memory_space<vmem>>
      %dma_start3A_364 = tpu.memref_slice %arg3[%multiple_of3A_359] : memref<12800000xf32, #tpu.memory_space<hbm>> -> memref<16xf32, #tpu.memory_space<hbm>>
      %dma_start3A_365 = tpu.memref_slice %arg3[%multiple_of3A_359] : memref<12800000xf32, #tpu.memory_space<hbm>> -> memref<16xf32, #tpu.memory_space<hbm>>
      %dma_start3A_366 = arith.constant 0 : i32
      %dma_start3A_367 = tpu.memref_slice %arg6[%dma_start3A_360, %dma_start3A_366] : memref<16x16xf32, #tpu.memory_space<vmem>> -> memref<1x16xf32, #tpu.memory_space<vmem>>
      %dma_start3A_368 = tpu.memref_squeeze %dma_start3A_367 : memref<1x16xf32, #tpu.memory_space<vmem>> -> memref<16xf32, #tpu.memory_space<vmem>>
      tpu.enqueue_dma source(%dma_start3A_368 : memref<16xf32, #tpu.memory_space<vmem>>) target(%dma_start3A_365 : memref<16xf32, #tpu.memory_space<hbm>>) target_semaphore(%arg7 : memref<!tpu.dma_semaphore, #tpu.memory_space<semaphore_mem>>)
      %slice3A_369 = vector.extract_strided_slice %get3A_5 {offsets = [7], sizes = [1], strides = [1]} : vector<16xi32> to vector<1xi32>
      %squeeze3A_370 = vector.extract %slice3A_369[0] : i32 from vector<1xi32>
      %add3A_371 = arith.constant 7 : i32
      %add3A_372 = arith.addi %mul3A_4, %add3A_371 : i32
      %mul3A_373 = arith.constant 100000 : i32
      %mul3A_374 = arith.muli %add3A_372, %mul3A_373 : i32
      %and3A_375 = arith.constant -16 : i32
      %and3A_376 = arith.andi %squeeze3A_370, %and3A_375 : i32
      %add3A_377 = arith.addi %mul3A_374, %and3A_376 : i32
      %multiple_of3A_378 = tpu.assume_multiple %add3A_377, 16 : i32
      %dma_start3A_379 = arith.constant 7 : i32
      %dma_start3A_380 = arith.constant 0 : i32
      %dma_start3A_381 = tpu.memref_slice %arg6[%dma_start3A_379, %dma_start3A_380] : memref<16x16xf32, #tpu.memory_space<vmem>> -> memref<1x16xf32, #tpu.memory_space<vmem>>
      %dma_start3A_382 = tpu.memref_squeeze %dma_start3A_381 : memref<1x16xf32, #tpu.memory_space<vmem>> -> memref<16xf32, #tpu.memory_space<vmem>>
      %dma_start3A_383 = tpu.memref_slice %arg3[%multiple_of3A_378] : memref<12800000xf32, #tpu.memory_space<hbm>> -> memref<16xf32, #tpu.memory_space<hbm>>
      %dma_start3A_384 = tpu.memref_slice %arg3[%multiple_of3A_378] : memref<12800000xf32, #tpu.memory_space<hbm>> -> memref<16xf32, #tpu.memory_space<hbm>>
      %dma_start3A_385 = arith.constant 0 : i32
      %dma_start3A_386 = tpu.memref_slice %arg6[%dma_start3A_379, %dma_start3A_385] : memref<16x16xf32, #tpu.memory_space<vmem>> -> memref<1x16xf32, #tpu.memory_space<vmem>>
      %dma_start3A_387 = tpu.memref_squeeze %dma_start3A_386 : memref<1x16xf32, #tpu.memory_space<vmem>> -> memref<16xf32, #tpu.memory_space<vmem>>
      tpu.enqueue_dma source(%dma_start3A_387 : memref<16xf32, #tpu.memory_space<vmem>>) target(%dma_start3A_384 : memref<16xf32, #tpu.memory_space<hbm>>) target_semaphore(%arg7 : memref<!tpu.dma_semaphore, #tpu.memory_space<semaphore_mem>>)
      %slice3A_388 = vector.extract_strided_slice %get3A_5 {offsets = [8], sizes = [1], strides = [1]} : vector<16xi32> to vector<1xi32>
      %squeeze3A_389 = vector.extract %slice3A_388[0] : i32 from vector<1xi32>
      %add3A_390 = arith.constant 8 : i32
      %add3A_391 = arith.addi %mul3A_4, %add3A_390 : i32
      %mul3A_392 = arith.constant 100000 : i32
      %mul3A_393 = arith.muli %add3A_391, %mul3A_392 : i32
      %and3A_394 = arith.constant -16 : i32
      %and3A_395 = arith.andi %squeeze3A_389, %and3A_394 : i32
      %add3A_396 = arith.addi %mul3A_393, %and3A_395 : i32
      %multiple_of3A_397 = tpu.assume_multiple %add3A_396, 16 : i32
      %dma_start3A_398 = arith.constant 8 : i32
      %dma_start3A_399 = arith.constant 0 : i32
      %dma_start3A_400 = tpu.memref_slice %arg6[%dma_start3A_398, %dma_start3A_399] : memref<16x16xf32, #tpu.memory_space<vmem>> -> memref<1x16xf32, #tpu.memory_space<vmem>>
      %dma_start3A_401 = tpu.memref_squeeze %dma_start3A_400 : memref<1x16xf32, #tpu.memory_space<vmem>> -> memref<16xf32, #tpu.memory_space<vmem>>
      %dma_start3A_402 = tpu.memref_slice %arg3[%multiple_of3A_397] : memref<12800000xf32, #tpu.memory_space<hbm>> -> memref<16xf32, #tpu.memory_space<hbm>>
      %dma_start3A_403 = tpu.memref_slice %arg3[%multiple_of3A_397] : memref<12800000xf32, #tpu.memory_space<hbm>> -> memref<16xf32, #tpu.memory_space<hbm>>
      %dma_start3A_404 = arith.constant 0 : i32
      %dma_start3A_405 = tpu.memref_slice %arg6[%dma_start3A_398, %dma_start3A_404] : memref<16x16xf32, #tpu.memory_space<vmem>> -> memref<1x16xf32, #tpu.memory_space<vmem>>
      %dma_start3A_406 = tpu.memref_squeeze %dma_start3A_405 : memref<1x16xf32, #tpu.memory_space<vmem>> -> memref<16xf32, #tpu.memory_space<vmem>>
      tpu.enqueue_dma source(%dma_start3A_406 : memref<16xf32, #tpu.memory_space<vmem>>) target(%dma_start3A_403 : memref<16xf32, #tpu.memory_space<hbm>>) target_semaphore(%arg7 : memref<!tpu.dma_semaphore, #tpu.memory_space<semaphore_mem>>)
      %slice3A_407 = vector.extract_strided_slice %get3A_5 {offsets = [9], sizes = [1], strides = [1]} : vector<16xi32> to vector<1xi32>
      %squeeze3A_408 = vector.extract %slice3A_407[0] : i32 from vector<1xi32>
      %add3A_409 = arith.constant 9 : i32
      %add3A_410 = arith.addi %mul3A_4, %add3A_409 : i32
      %mul3A_411 = arith.constant 100000 : i32
      %mul3A_412 = arith.muli %add3A_410, %mul3A_411 : i32
      %and3A_413 = arith.constant -16 : i32
      %and3A_414 = arith.andi %squeeze3A_408, %and3A_413 : i32
      %add3A_415 = arith.addi %mul3A_412, %and3A_414 : i32
      %multiple_of3A_416 = tpu.assume_multiple %add3A_415, 16 : i32
      %dma_start3A_417 = arith.constant 9 : i32
      %dma_start3A_418 = arith.constant 0 : i32
      %dma_start3A_419 = tpu.memref_slice %arg6[%dma_start3A_417, %dma_start3A_418] : memref<16x16xf32, #tpu.memory_space<vmem>> -> memref<1x16xf32, #tpu.memory_space<vmem>>
      %dma_start3A_420 = tpu.memref_squeeze %dma_start3A_419 : memref<1x16xf32, #tpu.memory_space<vmem>> -> memref<16xf32, #tpu.memory_space<vmem>>
      %dma_start3A_421 = tpu.memref_slice %arg3[%multiple_of3A_416] : memref<12800000xf32, #tpu.memory_space<hbm>> -> memref<16xf32, #tpu.memory_space<hbm>>
      %dma_start3A_422 = tpu.memref_slice %arg3[%multiple_of3A_416] : memref<12800000xf32, #tpu.memory_space<hbm>> -> memref<16xf32, #tpu.memory_space<hbm>>
      %dma_start3A_423 = arith.constant 0 : i32
      %dma_start3A_424 = tpu.memref_slice %arg6[%dma_start3A_417, %dma_start3A_423] : memref<16x16xf32, #tpu.memory_space<vmem>> -> memref<1x16xf32, #tpu.memory_space<vmem>>
      %dma_start3A_425 = tpu.memref_squeeze %dma_start3A_424 : memref<1x16xf32, #tpu.memory_space<vmem>> -> memref<16xf32, #tpu.memory_space<vmem>>
      tpu.enqueue_dma source(%dma_start3A_425 : memref<16xf32, #tpu.memory_space<vmem>>) target(%dma_start3A_422 : memref<16xf32, #tpu.memory_space<hbm>>) target_semaphore(%arg7 : memref<!tpu.dma_semaphore, #tpu.memory_space<semaphore_mem>>)
      %slice3A_426 = vector.extract_strided_slice %get3A_5 {offsets = [10], sizes = [1], strides = [1]} : vector<16xi32> to vector<1xi32>
      %squeeze3A_427 = vector.extract %slice3A_426[0] : i32 from vector<1xi32>
      %add3A_428 = arith.constant 10 : i32
      %add3A_429 = arith.addi %mul3A_4, %add3A_428 : i32
      %mul3A_430 = arith.constant 100000 : i32
      %mul3A_431 = arith.muli %add3A_429, %mul3A_430 : i32
      %and3A_432 = arith.constant -16 : i32
      %and3A_433 = arith.andi %squeeze3A_427, %and3A_432 : i32
      %add3A_434 = arith.addi %mul3A_431, %and3A_433 : i32
      %multiple_of3A_435 = tpu.assume_multiple %add3A_434, 16 : i32
      %dma_start3A_436 = arith.constant 10 : i32
      %dma_start3A_437 = arith.constant 0 : i32
      %dma_start3A_438 = tpu.memref_slice %arg6[%dma_start3A_436, %dma_start3A_437] : memref<16x16xf32, #tpu.memory_space<vmem>> -> memref<1x16xf32, #tpu.memory_space<vmem>>
      %dma_start3A_439 = tpu.memref_squeeze %dma_start3A_438 : memref<1x16xf32, #tpu.memory_space<vmem>> -> memref<16xf32, #tpu.memory_space<vmem>>
      %dma_start3A_440 = tpu.memref_slice %arg3[%multiple_of3A_435] : memref<12800000xf32, #tpu.memory_space<hbm>> -> memref<16xf32, #tpu.memory_space<hbm>>
      %dma_start3A_441 = tpu.memref_slice %arg3[%multiple_of3A_435] : memref<12800000xf32, #tpu.memory_space<hbm>> -> memref<16xf32, #tpu.memory_space<hbm>>
      %dma_start3A_442 = arith.constant 0 : i32
      %dma_start3A_443 = tpu.memref_slice %arg6[%dma_start3A_436, %dma_start3A_442] : memref<16x16xf32, #tpu.memory_space<vmem>> -> memref<1x16xf32, #tpu.memory_space<vmem>>
      %dma_start3A_444 = tpu.memref_squeeze %dma_start3A_443 : memref<1x16xf32, #tpu.memory_space<vmem>> -> memref<16xf32, #tpu.memory_space<vmem>>
      tpu.enqueue_dma source(%dma_start3A_444 : memref<16xf32, #tpu.memory_space<vmem>>) target(%dma_start3A_441 : memref<16xf32, #tpu.memory_space<hbm>>) target_semaphore(%arg7 : memref<!tpu.dma_semaphore, #tpu.memory_space<semaphore_mem>>)
      %slice3A_445 = vector.extract_strided_slice %get3A_5 {offsets = [11], sizes = [1], strides = [1]} : vector<16xi32> to vector<1xi32>
      %squeeze3A_446 = vector.extract %slice3A_445[0] : i32 from vector<1xi32>
      %add3A_447 = arith.constant 11 : i32
      %add3A_448 = arith.addi %mul3A_4, %add3A_447 : i32
      %mul3A_449 = arith.constant 100000 : i32
      %mul3A_450 = arith.muli %add3A_448, %mul3A_449 : i32
      %and3A_451 = arith.constant -16 : i32
      %and3A_452 = arith.andi %squeeze3A_446, %and3A_451 : i32
      %add3A_453 = arith.addi %mul3A_450, %and3A_452 : i32
      %multiple_of3A_454 = tpu.assume_multiple %add3A_453, 16 : i32
      %dma_start3A_455 = arith.constant 11 : i32
      %dma_start3A_456 = arith.constant 0 : i32
      %dma_start3A_457 = tpu.memref_slice %arg6[%dma_start3A_455, %dma_start3A_456] : memref<16x16xf32, #tpu.memory_space<vmem>> -> memref<1x16xf32, #tpu.memory_space<vmem>>
      %dma_start3A_458 = tpu.memref_squeeze %dma_start3A_457 : memref<1x16xf32, #tpu.memory_space<vmem>> -> memref<16xf32, #tpu.memory_space<vmem>>
      %dma_start3A_459 = tpu.memref_slice %arg3[%multiple_of3A_454] : memref<12800000xf32, #tpu.memory_space<hbm>> -> memref<16xf32, #tpu.memory_space<hbm>>
      %dma_start3A_460 = tpu.memref_slice %arg3[%multiple_of3A_454] : memref<12800000xf32, #tpu.memory_space<hbm>> -> memref<16xf32, #tpu.memory_space<hbm>>
      %dma_start3A_461 = arith.constant 0 : i32
      %dma_start3A_462 = tpu.memref_slice %arg6[%dma_start3A_455, %dma_start3A_461] : memref<16x16xf32, #tpu.memory_space<vmem>> -> memref<1x16xf32, #tpu.memory_space<vmem>>
      %dma_start3A_463 = tpu.memref_squeeze %dma_start3A_462 : memref<1x16xf32, #tpu.memory_space<vmem>> -> memref<16xf32, #tpu.memory_space<vmem>>
      tpu.enqueue_dma source(%dma_start3A_463 : memref<16xf32, #tpu.memory_space<vmem>>) target(%dma_start3A_460 : memref<16xf32, #tpu.memory_space<hbm>>) target_semaphore(%arg7 : memref<!tpu.dma_semaphore, #tpu.memory_space<semaphore_mem>>)
      %slice3A_464 = vector.extract_strided_slice %get3A_5 {offsets = [12], sizes = [1], strides = [1]} : vector<16xi32> to vector<1xi32>
      %squeeze3A_465 = vector.extract %slice3A_464[0] : i32 from vector<1xi32>
      %add3A_466 = arith.constant 12 : i32
      %add3A_467 = arith.addi %mul3A_4, %add3A_466 : i32
      %mul3A_468 = arith.constant 100000 : i32
      %mul3A_469 = arith.muli %add3A_467, %mul3A_468 : i32
      %and3A_470 = arith.constant -16 : i32
      %and3A_471 = arith.andi %squeeze3A_465, %and3A_470 : i32
      %add3A_472 = arith.addi %mul3A_469, %and3A_471 : i32
      %multiple_of3A_473 = tpu.assume_multiple %add3A_472, 16 : i32
      %dma_start3A_474 = arith.constant 12 : i32
      %dma_start3A_475 = arith.constant 0 : i32
      %dma_start3A_476 = tpu.memref_slice %arg6[%dma_start3A_474, %dma_start3A_475] : memref<16x16xf32, #tpu.memory_space<vmem>> -> memref<1x16xf32, #tpu.memory_space<vmem>>
      %dma_start3A_477 = tpu.memref_squeeze %dma_start3A_476 : memref<1x16xf32, #tpu.memory_space<vmem>> -> memref<16xf32, #tpu.memory_space<vmem>>
      %dma_start3A_478 = tpu.memref_slice %arg3[%multiple_of3A_473] : memref<12800000xf32, #tpu.memory_space<hbm>> -> memref<16xf32, #tpu.memory_space<hbm>>
      %dma_start3A_479 = tpu.memref_slice %arg3[%multiple_of3A_473] : memref<12800000xf32, #tpu.memory_space<hbm>> -> memref<16xf32, #tpu.memory_space<hbm>>
      %dma_start3A_480 = arith.constant 0 : i32
      %dma_start3A_481 = tpu.memref_slice %arg6[%dma_start3A_474, %dma_start3A_480] : memref<16x16xf32, #tpu.memory_space<vmem>> -> memref<1x16xf32, #tpu.memory_space<vmem>>
      %dma_start3A_482 = tpu.memref_squeeze %dma_start3A_481 : memref<1x16xf32, #tpu.memory_space<vmem>> -> memref<16xf32, #tpu.memory_space<vmem>>
      tpu.enqueue_dma source(%dma_start3A_482 : memref<16xf32, #tpu.memory_space<vmem>>) target(%dma_start3A_479 : memref<16xf32, #tpu.memory_space<hbm>>) target_semaphore(%arg7 : memref<!tpu.dma_semaphore, #tpu.memory_space<semaphore_mem>>)
      %slice3A_483 = vector.extract_strided_slice %get3A_5 {offsets = [13], sizes = [1], strides = [1]} : vector<16xi32> to vector<1xi32>
      %squeeze3A_484 = vector.extract %slice3A_483[0] : i32 from vector<1xi32>
      %add3A_485 = arith.constant 13 : i32
      %add3A_486 = arith.addi %mul3A_4, %add3A_485 : i32
      %mul3A_487 = arith.constant 100000 : i32
      %mul3A_488 = arith.muli %add3A_486, %mul3A_487 : i32
      %and3A_489 = arith.constant -16 : i32
      %and3A_490 = arith.andi %squeeze3A_484, %and3A_489 : i32
      %add3A_491 = arith.addi %mul3A_488, %and3A_490 : i32
      %multiple_of3A_492 = tpu.assume_multiple %add3A_491, 16 : i32
      %dma_start3A_493 = arith.constant 13 : i32
      %dma_start3A_494 = arith.constant 0 : i32
      %dma_start3A_495 = tpu.memref_slice %arg6[%dma_start3A_493, %dma_start3A_494] : memref<16x16xf32, #tpu.memory_space<vmem>> -> memref<1x16xf32, #tpu.memory_space<vmem>>
      %dma_start3A_496 = tpu.memref_squeeze %dma_start3A_495 : memref<1x16xf32, #tpu.memory_space<vmem>> -> memref<16xf32, #tpu.memory_space<vmem>>
      %dma_start3A_497 = tpu.memref_slice %arg3[%multiple_of3A_492] : memref<12800000xf32, #tpu.memory_space<hbm>> -> memref<16xf32, #tpu.memory_space<hbm>>
      %dma_start3A_498 = tpu.memref_slice %arg3[%multiple_of3A_492] : memref<12800000xf32, #tpu.memory_space<hbm>> -> memref<16xf32, #tpu.memory_space<hbm>>
      %dma_start3A_499 = arith.constant 0 : i32
      %dma_start3A_500 = tpu.memref_slice %arg6[%dma_start3A_493, %dma_start3A_499] : memref<16x16xf32, #tpu.memory_space<vmem>> -> memref<1x16xf32, #tpu.memory_space<vmem>>
      %dma_start3A_501 = tpu.memref_squeeze %dma_start3A_500 : memref<1x16xf32, #tpu.memory_space<vmem>> -> memref<16xf32, #tpu.memory_space<vmem>>
      tpu.enqueue_dma source(%dma_start3A_501 : memref<16xf32, #tpu.memory_space<vmem>>) target(%dma_start3A_498 : memref<16xf32, #tpu.memory_space<hbm>>) target_semaphore(%arg7 : memref<!tpu.dma_semaphore, #tpu.memory_space<semaphore_mem>>)
      %slice3A_502 = vector.extract_strided_slice %get3A_5 {offsets = [14], sizes = [1], strides = [1]} : vector<16xi32> to vector<1xi32>
      %squeeze3A_503 = vector.extract %slice3A_502[0] : i32 from vector<1xi32>
      %add3A_504 = arith.constant 14 : i32
      %add3A_505 = arith.addi %mul3A_4, %add3A_504 : i32
      %mul3A_506 = arith.constant 100000 : i32
      %mul3A_507 = arith.muli %add3A_505, %mul3A_506 : i32
      %and3A_508 = arith.constant -16 : i32
      %and3A_509 = arith.andi %squeeze3A_503, %and3A_508 : i32
      %add3A_510 = arith.addi %mul3A_507, %and3A_509 : i32
      %multiple_of3A_511 = tpu.assume_multiple %add3A_510, 16 : i32
      %dma_start3A_512 = arith.constant 14 : i32
      %dma_start3A_513 = arith.constant 0 : i32
      %dma_start3A_514 = tpu.memref_slice %arg6[%dma_start3A_512, %dma_start3A_513] : memref<16x16xf32, #tpu.memory_space<vmem>> -> memref<1x16xf32, #tpu.memory_space<vmem>>
      %dma_start3A_515 = tpu.memref_squeeze %dma_start3A_514 : memref<1x16xf32, #tpu.memory_space<vmem>> -> memref<16xf32, #tpu.memory_space<vmem>>
      %dma_start3A_516 = tpu.memref_slice %arg3[%multiple_of3A_511] : memref<12800000xf32, #tpu.memory_space<hbm>> -> memref<16xf32, #tpu.memory_space<hbm>>
      %dma_start3A_517 = tpu.memref_slice %arg3[%multiple_of3A_511] : memref<12800000xf32, #tpu.memory_space<hbm>> -> memref<16xf32, #tpu.memory_space<hbm>>
      %dma_start3A_518 = arith.constant 0 : i32
      %dma_start3A_519 = tpu.memref_slice %arg6[%dma_start3A_512, %dma_start3A_518] : memref<16x16xf32, #tpu.memory_space<vmem>> -> memref<1x16xf32, #tpu.memory_space<vmem>>
      %dma_start3A_520 = tpu.memref_squeeze %dma_start3A_519 : memref<1x16xf32, #tpu.memory_space<vmem>> -> memref<16xf32, #tpu.memory_space<vmem>>
      tpu.enqueue_dma source(%dma_start3A_520 : memref<16xf32, #tpu.memory_space<vmem>>) target(%dma_start3A_517 : memref<16xf32, #tpu.memory_space<hbm>>) target_semaphore(%arg7 : memref<!tpu.dma_semaphore, #tpu.memory_space<semaphore_mem>>)
      %slice3A_521 = vector.extract_strided_slice %get3A_5 {offsets = [15], sizes = [1], strides = [1]} : vector<16xi32> to vector<1xi32>
      %squeeze3A_522 = vector.extract %slice3A_521[0] : i32 from vector<1xi32>
      %add3A_523 = arith.constant 15 : i32
      %add3A_524 = arith.addi %mul3A_4, %add3A_523 : i32
      %mul3A_525 = arith.constant 100000 : i32
      %mul3A_526 = arith.muli %add3A_524, %mul3A_525 : i32
      %and3A_527 = arith.constant -16 : i32
      %and3A_528 = arith.andi %squeeze3A_522, %and3A_527 : i32
      %add3A_529 = arith.addi %mul3A_526, %and3A_528 : i32
      %multiple_of3A_530 = tpu.assume_multiple %add3A_529, 16 : i32
      %dma_start3A_531 = arith.constant 15 : i32
      %dma_start3A_532 = arith.constant 0 : i32
      %dma_start3A_533 = tpu.memref_slice %arg6[%dma_start3A_531, %dma_start3A_532] : memref<16x16xf32, #tpu.memory_space<vmem>> -> memref<1x16xf32, #tpu.memory_space<vmem>>
      %dma_start3A_534 = tpu.memref_squeeze %dma_start3A_533 : memref<1x16xf32, #tpu.memory_space<vmem>> -> memref<16xf32, #tpu.memory_space<vmem>>
      %dma_start3A_535 = tpu.memref_slice %arg3[%multiple_of3A_530] : memref<12800000xf32, #tpu.memory_space<hbm>> -> memref<16xf32, #tpu.memory_space<hbm>>
      %dma_start3A_536 = tpu.memref_slice %arg3[%multiple_of3A_530] : memref<12800000xf32, #tpu.memory_space<hbm>> -> memref<16xf32, #tpu.memory_space<hbm>>
      %dma_start3A_537 = arith.constant 0 : i32
      %dma_start3A_538 = tpu.memref_slice %arg6[%dma_start3A_531, %dma_start3A_537] : memref<16x16xf32, #tpu.memory_space<vmem>> -> memref<1x16xf32, #tpu.memory_space<vmem>>
      %dma_start3A_539 = tpu.memref_squeeze %dma_start3A_538 : memref<1x16xf32, #tpu.memory_space<vmem>> -> memref<16xf32, #tpu.memory_space<vmem>>
      tpu.enqueue_dma source(%dma_start3A_539 : memref<16xf32, #tpu.memory_space<vmem>>) target(%dma_start3A_536 : memref<16xf32, #tpu.memory_space<hbm>>) target_semaphore(%arg7 : memref<!tpu.dma_semaphore, #tpu.memory_space<semaphore_mem>>)
      %dma_wait3A = arith.constant 0 : i32
      %dma_wait3A_540 = arith.constant 0 : i32
      %dma_wait3A_541 = tpu.memref_slice %arg6[%dma_wait3A, %dma_wait3A_540] : memref<16x16xf32, #tpu.memory_space<vmem>> -> memref<1x16xf32, #tpu.memory_space<vmem>>
      %dma_wait3A_542 = tpu.memref_squeeze %dma_wait3A_541 : memref<1x16xf32, #tpu.memory_space<vmem>> -> memref<16xf32, #tpu.memory_space<vmem>>
      %dma_wait3A_543 = tpu.memref_slice %arg3[%multiple_of3A] : memref<12800000xf32, #tpu.memory_space<hbm>> -> memref<16xf32, #tpu.memory_space<hbm>>
      %dma_wait3A_544 = tpu.memref_slice %arg3[%multiple_of3A] : memref<12800000xf32, #tpu.memory_space<hbm>> -> memref<16xf32, #tpu.memory_space<hbm>>
      %dma_wait3A_545 = arith.constant 0 : i32
      %dma_wait3A_546 = tpu.memref_slice %arg6[%dma_wait3A, %dma_wait3A_545] : memref<16x16xf32, #tpu.memory_space<vmem>> -> memref<1x16xf32, #tpu.memory_space<vmem>>
      %dma_wait3A_547 = tpu.memref_squeeze %dma_wait3A_546 : memref<1x16xf32, #tpu.memory_space<vmem>> -> memref<16xf32, #tpu.memory_space<vmem>>
      tpu.wait_dma2 semaphore(%arg7 : memref<!tpu.dma_semaphore, #tpu.memory_space<semaphore_mem>>) src(%dma_wait3A_547 : memref<16xf32, #tpu.memory_space<vmem>>) dst(%dma_wait3A_544 : memref<16xf32, #tpu.memory_space<hbm>>)
      %dma_wait3A_548 = arith.constant 1 : i32
      %dma_wait3A_549 = arith.constant 0 : i32
      %dma_wait3A_550 = tpu.memref_slice %arg6[%dma_wait3A_548, %dma_wait3A_549] : memref<16x16xf32, #tpu.memory_space<vmem>> -> memref<1x16xf32, #tpu.memory_space<vmem>>
      %dma_wait3A_551 = tpu.memref_squeeze %dma_wait3A_550 : memref<1x16xf32, #tpu.memory_space<vmem>> -> memref<16xf32, #tpu.memory_space<vmem>>
      %dma_wait3A_552 = tpu.memref_slice %arg3[%multiple_of3A_264] : memref<12800000xf32, #tpu.memory_space<hbm>> -> memref<16xf32, #tpu.memory_space<hbm>>
      %dma_wait3A_553 = tpu.memref_slice %arg3[%multiple_of3A_264] : memref<12800000xf32, #tpu.memory_space<hbm>> -> memref<16xf32, #tpu.memory_space<hbm>>
      %dma_wait3A_554 = arith.constant 0 : i32
      %dma_wait3A_555 = tpu.memref_slice %arg6[%dma_wait3A_548, %dma_wait3A_554] : memref<16x16xf32, #tpu.memory_space<vmem>> -> memref<1x16xf32, #tpu.memory_space<vmem>>
      %dma_wait3A_556 = tpu.memref_squeeze %dma_wait3A_555 : memref<1x16xf32, #tpu.memory_space<vmem>> -> memref<16xf32, #tpu.memory_space<vmem>>
      tpu.wait_dma2 semaphore(%arg7 : memref<!tpu.dma_semaphore, #tpu.memory_space<semaphore_mem>>) src(%dma_wait3A_556 : memref<16xf32, #tpu.memory_space<vmem>>) dst(%dma_wait3A_553 : memref<16xf32, #tpu.memory_space<hbm>>)
      %dma_wait3A_557 = arith.constant 2 : i32
      %dma_wait3A_558 = arith.constant 0 : i32
      %dma_wait3A_559 = tpu.memref_slice %arg6[%dma_wait3A_557, %dma_wait3A_558] : memref<16x16xf32, #tpu.memory_space<vmem>> -> memref<1x16xf32, #tpu.memory_space<vmem>>
      %dma_wait3A_560 = tpu.memref_squeeze %dma_wait3A_559 : memref<1x16xf32, #tpu.memory_space<vmem>> -> memref<16xf32, #tpu.memory_space<vmem>>
      %dma_wait3A_561 = tpu.memref_slice %arg3[%multiple_of3A_283] : memref<12800000xf32, #tpu.memory_space<hbm>> -> memref<16xf32, #tpu.memory_space<hbm>>
      %dma_wait3A_562 = tpu.memref_slice %arg3[%multiple_of3A_283] : memref<12800000xf32, #tpu.memory_space<hbm>> -> memref<16xf32, #tpu.memory_space<hbm>>
      %dma_wait3A_563 = arith.constant 0 : i32
      %dma_wait3A_564 = tpu.memref_slice %arg6[%dma_wait3A_557, %dma_wait3A_563] : memref<16x16xf32, #tpu.memory_space<vmem>> -> memref<1x16xf32, #tpu.memory_space<vmem>>
      %dma_wait3A_565 = tpu.memref_squeeze %dma_wait3A_564 : memref<1x16xf32, #tpu.memory_space<vmem>> -> memref<16xf32, #tpu.memory_space<vmem>>
      tpu.wait_dma2 semaphore(%arg7 : memref<!tpu.dma_semaphore, #tpu.memory_space<semaphore_mem>>) src(%dma_wait3A_565 : memref<16xf32, #tpu.memory_space<vmem>>) dst(%dma_wait3A_562 : memref<16xf32, #tpu.memory_space<hbm>>)
      %dma_wait3A_566 = arith.constant 3 : i32
      %dma_wait3A_567 = arith.constant 0 : i32
      %dma_wait3A_568 = tpu.memref_slice %arg6[%dma_wait3A_566, %dma_wait3A_567] : memref<16x16xf32, #tpu.memory_space<vmem>> -> memref<1x16xf32, #tpu.memory_space<vmem>>
      %dma_wait3A_569 = tpu.memref_squeeze %dma_wait3A_568 : memref<1x16xf32, #tpu.memory_space<vmem>> -> memref<16xf32, #tpu.memory_space<vmem>>
      %dma_wait3A_570 = tpu.memref_slice %arg3[%multiple_of3A_302] : memref<12800000xf32, #tpu.memory_space<hbm>> -> memref<16xf32, #tpu.memory_space<hbm>>
      %dma_wait3A_571 = tpu.memref_slice %arg3[%multiple_of3A_302] : memref<12800000xf32, #tpu.memory_space<hbm>> -> memref<16xf32, #tpu.memory_space<hbm>>
      %dma_wait3A_572 = arith.constant 0 : i32
      %dma_wait3A_573 = tpu.memref_slice %arg6[%dma_wait3A_566, %dma_wait3A_572] : memref<16x16xf32, #tpu.memory_space<vmem>> -> memref<1x16xf32, #tpu.memory_space<vmem>>
      %dma_wait3A_574 = tpu.memref_squeeze %dma_wait3A_573 : memref<1x16xf32, #tpu.memory_space<vmem>> -> memref<16xf32, #tpu.memory_space<vmem>>
      tpu.wait_dma2 semaphore(%arg7 : memref<!tpu.dma_semaphore, #tpu.memory_space<semaphore_mem>>) src(%dma_wait3A_574 : memref<16xf32, #tpu.memory_space<vmem>>) dst(%dma_wait3A_571 : memref<16xf32, #tpu.memory_space<hbm>>)
      %dma_wait3A_575 = arith.constant 4 : i32
      %dma_wait3A_576 = arith.constant 0 : i32
      %dma_wait3A_577 = tpu.memref_slice %arg6[%dma_wait3A_575, %dma_wait3A_576] : memref<16x16xf32, #tpu.memory_space<vmem>> -> memref<1x16xf32, #tpu.memory_space<vmem>>
      %dma_wait3A_578 = tpu.memref_squeeze %dma_wait3A_577 : memref<1x16xf32, #tpu.memory_space<vmem>> -> memref<16xf32, #tpu.memory_space<vmem>>
      %dma_wait3A_579 = tpu.memref_slice %arg3[%multiple_of3A_321] : memref<12800000xf32, #tpu.memory_space<hbm>> -> memref<16xf32, #tpu.memory_space<hbm>>
      %dma_wait3A_580 = tpu.memref_slice %arg3[%multiple_of3A_321] : memref<12800000xf32, #tpu.memory_space<hbm>> -> memref<16xf32, #tpu.memory_space<hbm>>
      %dma_wait3A_581 = arith.constant 0 : i32
      %dma_wait3A_582 = tpu.memref_slice %arg6[%dma_wait3A_575, %dma_wait3A_581] : memref<16x16xf32, #tpu.memory_space<vmem>> -> memref<1x16xf32, #tpu.memory_space<vmem>>
      %dma_wait3A_583 = tpu.memref_squeeze %dma_wait3A_582 : memref<1x16xf32, #tpu.memory_space<vmem>> -> memref<16xf32, #tpu.memory_space<vmem>>
      tpu.wait_dma2 semaphore(%arg7 : memref<!tpu.dma_semaphore, #tpu.memory_space<semaphore_mem>>) src(%dma_wait3A_583 : memref<16xf32, #tpu.memory_space<vmem>>) dst(%dma_wait3A_580 : memref<16xf32, #tpu.memory_space<hbm>>)
      %dma_wait3A_584 = arith.constant 5 : i32
      %dma_wait3A_585 = arith.constant 0 : i32
      %dma_wait3A_586 = tpu.memref_slice %arg6[%dma_wait3A_584, %dma_wait3A_585] : memref<16x16xf32, #tpu.memory_space<vmem>> -> memref<1x16xf32, #tpu.memory_space<vmem>>
      %dma_wait3A_587 = tpu.memref_squeeze %dma_wait3A_586 : memref<1x16xf32, #tpu.memory_space<vmem>> -> memref<16xf32, #tpu.memory_space<vmem>>
      %dma_wait3A_588 = tpu.memref_slice %arg3[%multiple_of3A_340] : memref<12800000xf32, #tpu.memory_space<hbm>> -> memref<16xf32, #tpu.memory_space<hbm>>
      %dma_wait3A_589 = tpu.memref_slice %arg3[%multiple_of3A_340] : memref<12800000xf32, #tpu.memory_space<hbm>> -> memref<16xf32, #tpu.memory_space<hbm>>
      %dma_wait3A_590 = arith.constant 0 : i32
      %dma_wait3A_591 = tpu.memref_slice %arg6[%dma_wait3A_584, %dma_wait3A_590] : memref<16x16xf32, #tpu.memory_space<vmem>> -> memref<1x16xf32, #tpu.memory_space<vmem>>
      %dma_wait3A_592 = tpu.memref_squeeze %dma_wait3A_591 : memref<1x16xf32, #tpu.memory_space<vmem>> -> memref<16xf32, #tpu.memory_space<vmem>>
      tpu.wait_dma2 semaphore(%arg7 : memref<!tpu.dma_semaphore, #tpu.memory_space<semaphore_mem>>) src(%dma_wait3A_592 : memref<16xf32, #tpu.memory_space<vmem>>) dst(%dma_wait3A_589 : memref<16xf32, #tpu.memory_space<hbm>>)
      %dma_wait3A_593 = arith.constant 6 : i32
      %dma_wait3A_594 = arith.constant 0 : i32
      %dma_wait3A_595 = tpu.memref_slice %arg6[%dma_wait3A_593, %dma_wait3A_594] : memref<16x16xf32, #tpu.memory_space<vmem>> -> memref<1x16xf32, #tpu.memory_space<vmem>>
      %dma_wait3A_596 = tpu.memref_squeeze %dma_wait3A_595 : memref<1x16xf32, #tpu.memory_space<vmem>> -> memref<16xf32, #tpu.memory_space<vmem>>
      %dma_wait3A_597 = tpu.memref_slice %arg3[%multiple_of3A_359] : memref<12800000xf32, #tpu.memory_space<hbm>> -> memref<16xf32, #tpu.memory_space<hbm>>
      %dma_wait3A_598 = tpu.memref_slice %arg3[%multiple_of3A_359] : memref<12800000xf32, #tpu.memory_space<hbm>> -> memref<16xf32, #tpu.memory_space<hbm>>
      %dma_wait3A_599 = arith.constant 0 : i32
      %dma_wait3A_600 = tpu.memref_slice %arg6[%dma_wait3A_593, %dma_wait3A_599] : memref<16x16xf32, #tpu.memory_space<vmem>> -> memref<1x16xf32, #tpu.memory_space<vmem>>
      %dma_wait3A_601 = tpu.memref_squeeze %dma_wait3A_600 : memref<1x16xf32, #tpu.memory_space<vmem>> -> memref<16xf32, #tpu.memory_space<vmem>>
      tpu.wait_dma2 semaphore(%arg7 : memref<!tpu.dma_semaphore, #tpu.memory_space<semaphore_mem>>) src(%dma_wait3A_601 : memref<16xf32, #tpu.memory_space<vmem>>) dst(%dma_wait3A_598 : memref<16xf32, #tpu.memory_space<hbm>>)
      %dma_wait3A_602 = arith.constant 7 : i32
      %dma_wait3A_603 = arith.constant 0 : i32
      %dma_wait3A_604 = tpu.memref_slice %arg6[%dma_wait3A_602, %dma_wait3A_603] : memref<16x16xf32, #tpu.memory_space<vmem>> -> memref<1x16xf32, #tpu.memory_space<vmem>>
      %dma_wait3A_605 = tpu.memref_squeeze %dma_wait3A_604 : memref<1x16xf32, #tpu.memory_space<vmem>> -> memref<16xf32, #tpu.memory_space<vmem>>
      %dma_wait3A_606 = tpu.memref_slice %arg3[%multiple_of3A_378] : memref<12800000xf32, #tpu.memory_space<hbm>> -> memref<16xf32, #tpu.memory_space<hbm>>
      %dma_wait3A_607 = tpu.memref_slice %arg3[%multiple_of3A_378] : memref<12800000xf32, #tpu.memory_space<hbm>> -> memref<16xf32, #tpu.memory_space<hbm>>
      %dma_wait3A_608 = arith.constant 0 : i32
      %dma_wait3A_609 = tpu.memref_slice %arg6[%dma_wait3A_602, %dma_wait3A_608] : memref<16x16xf32, #tpu.memory_space<vmem>> -> memref<1x16xf32, #tpu.memory_space<vmem>>
      %dma_wait3A_610 = tpu.memref_squeeze %dma_wait3A_609 : memref<1x16xf32, #tpu.memory_space<vmem>> -> memref<16xf32, #tpu.memory_space<vmem>>
      tpu.wait_dma2 semaphore(%arg7 : memref<!tpu.dma_semaphore, #tpu.memory_space<semaphore_mem>>) src(%dma_wait3A_610 : memref<16xf32, #tpu.memory_space<vmem>>) dst(%dma_wait3A_607 : memref<16xf32, #tpu.memory_space<hbm>>)
      %dma_wait3A_611 = arith.constant 8 : i32
      %dma_wait3A_612 = arith.constant 0 : i32
      %dma_wait3A_613 = tpu.memref_slice %arg6[%dma_wait3A_611, %dma_wait3A_612] : memref<16x16xf32, #tpu.memory_space<vmem>> -> memref<1x16xf32, #tpu.memory_space<vmem>>
      %dma_wait3A_614 = tpu.memref_squeeze %dma_wait3A_613 : memref<1x16xf32, #tpu.memory_space<vmem>> -> memref<16xf32, #tpu.memory_space<vmem>>
      %dma_wait3A_615 = tpu.memref_slice %arg3[%multiple_of3A_397] : memref<12800000xf32, #tpu.memory_space<hbm>> -> memref<16xf32, #tpu.memory_space<hbm>>
      %dma_wait3A_616 = tpu.memref_slice %arg3[%multiple_of3A_397] : memref<12800000xf32, #tpu.memory_space<hbm>> -> memref<16xf32, #tpu.memory_space<hbm>>
      %dma_wait3A_617 = arith.constant 0 : i32
      %dma_wait3A_618 = tpu.memref_slice %arg6[%dma_wait3A_611, %dma_wait3A_617] : memref<16x16xf32, #tpu.memory_space<vmem>> -> memref<1x16xf32, #tpu.memory_space<vmem>>
      %dma_wait3A_619 = tpu.memref_squeeze %dma_wait3A_618 : memref<1x16xf32, #tpu.memory_space<vmem>> -> memref<16xf32, #tpu.memory_space<vmem>>
      tpu.wait_dma2 semaphore(%arg7 : memref<!tpu.dma_semaphore, #tpu.memory_space<semaphore_mem>>) src(%dma_wait3A_619 : memref<16xf32, #tpu.memory_space<vmem>>) dst(%dma_wait3A_616 : memref<16xf32, #tpu.memory_space<hbm>>)
      %dma_wait3A_620 = arith.constant 9 : i32
      %dma_wait3A_621 = arith.constant 0 : i32
      %dma_wait3A_622 = tpu.memref_slice %arg6[%dma_wait3A_620, %dma_wait3A_621] : memref<16x16xf32, #tpu.memory_space<vmem>> -> memref<1x16xf32, #tpu.memory_space<vmem>>
      %dma_wait3A_623 = tpu.memref_squeeze %dma_wait3A_622 : memref<1x16xf32, #tpu.memory_space<vmem>> -> memref<16xf32, #tpu.memory_space<vmem>>
      %dma_wait3A_624 = tpu.memref_slice %arg3[%multiple_of3A_416] : memref<12800000xf32, #tpu.memory_space<hbm>> -> memref<16xf32, #tpu.memory_space<hbm>>
      %dma_wait3A_625 = tpu.memref_slice %arg3[%multiple_of3A_416] : memref<12800000xf32, #tpu.memory_space<hbm>> -> memref<16xf32, #tpu.memory_space<hbm>>
      %dma_wait3A_626 = arith.constant 0 : i32
      %dma_wait3A_627 = tpu.memref_slice %arg6[%dma_wait3A_620, %dma_wait3A_626] : memref<16x16xf32, #tpu.memory_space<vmem>> -> memref<1x16xf32, #tpu.memory_space<vmem>>
      %dma_wait3A_628 = tpu.memref_squeeze %dma_wait3A_627 : memref<1x16xf32, #tpu.memory_space<vmem>> -> memref<16xf32, #tpu.memory_space<vmem>>
      tpu.wait_dma2 semaphore(%arg7 : memref<!tpu.dma_semaphore, #tpu.memory_space<semaphore_mem>>) src(%dma_wait3A_628 : memref<16xf32, #tpu.memory_space<vmem>>) dst(%dma_wait3A_625 : memref<16xf32, #tpu.memory_space<hbm>>)
      %dma_wait3A_629 = arith.constant 10 : i32
      %dma_wait3A_630 = arith.constant 0 : i32
      %dma_wait3A_631 = tpu.memref_slice %arg6[%dma_wait3A_629, %dma_wait3A_630] : memref<16x16xf32, #tpu.memory_space<vmem>> -> memref<1x16xf32, #tpu.memory_space<vmem>>
      %dma_wait3A_632 = tpu.memref_squeeze %dma_wait3A_631 : memref<1x16xf32, #tpu.memory_space<vmem>> -> memref<16xf32, #tpu.memory_space<vmem>>
      %dma_wait3A_633 = tpu.memref_slice %arg3[%multiple_of3A_435] : memref<12800000xf32, #tpu.memory_space<hbm>> -> memref<16xf32, #tpu.memory_space<hbm>>
      %dma_wait3A_634 = tpu.memref_slice %arg3[%multiple_of3A_435] : memref<12800000xf32, #tpu.memory_space<hbm>> -> memref<16xf32, #tpu.memory_space<hbm>>
      %dma_wait3A_635 = arith.constant 0 : i32
      %dma_wait3A_636 = tpu.memref_slice %arg6[%dma_wait3A_629, %dma_wait3A_635] : memref<16x16xf32, #tpu.memory_space<vmem>> -> memref<1x16xf32, #tpu.memory_space<vmem>>
      %dma_wait3A_637 = tpu.memref_squeeze %dma_wait3A_636 : memref<1x16xf32, #tpu.memory_space<vmem>> -> memref<16xf32, #tpu.memory_space<vmem>>
      tpu.wait_dma2 semaphore(%arg7 : memref<!tpu.dma_semaphore, #tpu.memory_space<semaphore_mem>>) src(%dma_wait3A_637 : memref<16xf32, #tpu.memory_space<vmem>>) dst(%dma_wait3A_634 : memref<16xf32, #tpu.memory_space<hbm>>)
      %dma_wait3A_638 = arith.constant 11 : i32
      %dma_wait3A_639 = arith.constant 0 : i32
      %dma_wait3A_640 = tpu.memref_slice %arg6[%dma_wait3A_638, %dma_wait3A_639] : memref<16x16xf32, #tpu.memory_space<vmem>> -> memref<1x16xf32, #tpu.memory_space<vmem>>
      %dma_wait3A_641 = tpu.memref_squeeze %dma_wait3A_640 : memref<1x16xf32, #tpu.memory_space<vmem>> -> memref<16xf32, #tpu.memory_space<vmem>>
      %dma_wait3A_642 = tpu.memref_slice %arg3[%multiple_of3A_454] : memref<12800000xf32, #tpu.memory_space<hbm>> -> memref<16xf32, #tpu.memory_space<hbm>>
      %dma_wait3A_643 = tpu.memref_slice %arg3[%multiple_of3A_454] : memref<12800000xf32, #tpu.memory_space<hbm>> -> memref<16xf32, #tpu.memory_space<hbm>>
      %dma_wait3A_644 = arith.constant 0 : i32
      %dma_wait3A_645 = tpu.memref_slice %arg6[%dma_wait3A_638, %dma_wait3A_644] : memref<16x16xf32, #tpu.memory_space<vmem>> -> memref<1x16xf32, #tpu.memory_space<vmem>>
      %dma_wait3A_646 = tpu.memref_squeeze %dma_wait3A_645 : memref<1x16xf32, #tpu.memory_space<vmem>> -> memref<16xf32, #tpu.memory_space<vmem>>
      tpu.wait_dma2 semaphore(%arg7 : memref<!tpu.dma_semaphore, #tpu.memory_space<semaphore_mem>>) src(%dma_wait3A_646 : memref<16xf32, #tpu.memory_space<vmem>>) dst(%dma_wait3A_643 : memref<16xf32, #tpu.memory_space<hbm>>)
      %dma_wait3A_647 = arith.constant 12 : i32
      %dma_wait3A_648 = arith.constant 0 : i32
      %dma_wait3A_649 = tpu.memref_slice %arg6[%dma_wait3A_647, %dma_wait3A_648] : memref<16x16xf32, #tpu.memory_space<vmem>> -> memref<1x16xf32, #tpu.memory_space<vmem>>
      %dma_wait3A_650 = tpu.memref_squeeze %dma_wait3A_649 : memref<1x16xf32, #tpu.memory_space<vmem>> -> memref<16xf32, #tpu.memory_space<vmem>>
      %dma_wait3A_651 = tpu.memref_slice %arg3[%multiple_of3A_473] : memref<12800000xf32, #tpu.memory_space<hbm>> -> memref<16xf32, #tpu.memory_space<hbm>>
      %dma_wait3A_652 = tpu.memref_slice %arg3[%multiple_of3A_473] : memref<12800000xf32, #tpu.memory_space<hbm>> -> memref<16xf32, #tpu.memory_space<hbm>>
      %dma_wait3A_653 = arith.constant 0 : i32
      %dma_wait3A_654 = tpu.memref_slice %arg6[%dma_wait3A_647, %dma_wait3A_653] : memref<16x16xf32, #tpu.memory_space<vmem>> -> memref<1x16xf32, #tpu.memory_space<vmem>>
      %dma_wait3A_655 = tpu.memref_squeeze %dma_wait3A_654 : memref<1x16xf32, #tpu.memory_space<vmem>> -> memref<16xf32, #tpu.memory_space<vmem>>
      tpu.wait_dma2 semaphore(%arg7 : memref<!tpu.dma_semaphore, #tpu.memory_space<semaphore_mem>>) src(%dma_wait3A_655 : memref<16xf32, #tpu.memory_space<vmem>>) dst(%dma_wait3A_652 : memref<16xf32, #tpu.memory_space<hbm>>)
      %dma_wait3A_656 = arith.constant 13 : i32
      %dma_wait3A_657 = arith.constant 0 : i32
      %dma_wait3A_658 = tpu.memref_slice %arg6[%dma_wait3A_656, %dma_wait3A_657] : memref<16x16xf32, #tpu.memory_space<vmem>> -> memref<1x16xf32, #tpu.memory_space<vmem>>
      %dma_wait3A_659 = tpu.memref_squeeze %dma_wait3A_658 : memref<1x16xf32, #tpu.memory_space<vmem>> -> memref<16xf32, #tpu.memory_space<vmem>>
      %dma_wait3A_660 = tpu.memref_slice %arg3[%multiple_of3A_492] : memref<12800000xf32, #tpu.memory_space<hbm>> -> memref<16xf32, #tpu.memory_space<hbm>>
      %dma_wait3A_661 = tpu.memref_slice %arg3[%multiple_of3A_492] : memref<12800000xf32, #tpu.memory_space<hbm>> -> memref<16xf32, #tpu.memory_space<hbm>>
      %dma_wait3A_662 = arith.constant 0 : i32
      %dma_wait3A_663 = tpu.memref_slice %arg6[%dma_wait3A_656, %dma_wait3A_662] : memref<16x16xf32, #tpu.memory_space<vmem>> -> memref<1x16xf32, #tpu.memory_space<vmem>>
      %dma_wait3A_664 = tpu.memref_squeeze %dma_wait3A_663 : memref<1x16xf32, #tpu.memory_space<vmem>> -> memref<16xf32, #tpu.memory_space<vmem>>
      tpu.wait_dma2 semaphore(%arg7 : memref<!tpu.dma_semaphore, #tpu.memory_space<semaphore_mem>>) src(%dma_wait3A_664 : memref<16xf32, #tpu.memory_space<vmem>>) dst(%dma_wait3A_661 : memref<16xf32, #tpu.memory_space<hbm>>)
      %dma_wait3A_665 = arith.constant 14 : i32
      %dma_wait3A_666 = arith.constant 0 : i32
      %dma_wait3A_667 = tpu.memref_slice %arg6[%dma_wait3A_665, %dma_wait3A_666] : memref<16x16xf32, #tpu.memory_space<vmem>> -> memref<1x16xf32, #tpu.memory_space<vmem>>
      %dma_wait3A_668 = tpu.memref_squeeze %dma_wait3A_667 : memref<1x16xf32, #tpu.memory_space<vmem>> -> memref<16xf32, #tpu.memory_space<vmem>>
      %dma_wait3A_669 = tpu.memref_slice %arg3[%multiple_of3A_511] : memref<12800000xf32, #tpu.memory_space<hbm>> -> memref<16xf32, #tpu.memory_space<hbm>>
      %dma_wait3A_670 = tpu.memref_slice %arg3[%multiple_of3A_511] : memref<12800000xf32, #tpu.memory_space<hbm>> -> memref<16xf32, #tpu.memory_space<hbm>>
      %dma_wait3A_671 = arith.constant 0 : i32
      %dma_wait3A_672 = tpu.memref_slice %arg6[%dma_wait3A_665, %dma_wait3A_671] : memref<16x16xf32, #tpu.memory_space<vmem>> -> memref<1x16xf32, #tpu.memory_space<vmem>>
      %dma_wait3A_673 = tpu.memref_squeeze %dma_wait3A_672 : memref<1x16xf32, #tpu.memory_space<vmem>> -> memref<16xf32, #tpu.memory_space<vmem>>
      tpu.wait_dma2 semaphore(%arg7 : memref<!tpu.dma_semaphore, #tpu.memory_space<semaphore_mem>>) src(%dma_wait3A_673 : memref<16xf32, #tpu.memory_space<vmem>>) dst(%dma_wait3A_670 : memref<16xf32, #tpu.memory_space<hbm>>)
      %dma_wait3A_674 = arith.constant 15 : i32
      %dma_wait3A_675 = arith.constant 0 : i32
      %dma_wait3A_676 = tpu.memref_slice %arg6[%dma_wait3A_674, %dma_wait3A_675] : memref<16x16xf32, #tpu.memory_space<vmem>> -> memref<1x16xf32, #tpu.memory_space<vmem>>
      %dma_wait3A_677 = tpu.memref_squeeze %dma_wait3A_676 : memref<1x16xf32, #tpu.memory_space<vmem>> -> memref<16xf32, #tpu.memory_space<vmem>>
      %dma_wait3A_678 = tpu.memref_slice %arg3[%multiple_of3A_530] : memref<12800000xf32, #tpu.memory_space<hbm>> -> memref<16xf32, #tpu.memory_space<hbm>>
      %dma_wait3A_679 = tpu.memref_slice %arg3[%multiple_of3A_530] : memref<12800000xf32, #tpu.memory_space<hbm>> -> memref<16xf32, #tpu.memory_space<hbm>>
      %dma_wait3A_680 = arith.constant 0 : i32
      %dma_wait3A_681 = tpu.memref_slice %arg6[%dma_wait3A_674, %dma_wait3A_680] : memref<16x16xf32, #tpu.memory_space<vmem>> -> memref<1x16xf32, #tpu.memory_space<vmem>>
      %dma_wait3A_682 = tpu.memref_squeeze %dma_wait3A_681 : memref<1x16xf32, #tpu.memory_space<vmem>> -> memref<16xf32, #tpu.memory_space<vmem>>
      tpu.wait_dma2 semaphore(%arg7 : memref<!tpu.dma_semaphore, #tpu.memory_space<semaphore_mem>>) src(%dma_wait3A_682 : memref<16xf32, #tpu.memory_space<vmem>>) dst(%dma_wait3A_679 : memref<16xf32, #tpu.memory_space<hbm>>)
    } else {
    }
    return
  }
}

module attributes {stable_mosaic.version = 14 : i64} {
  func.func @_argmax_zero_kernel(%arg0: i32, %arg1: memref<128x2048xf32, #tpu.memory_space<vmem>>, %arg2: memref<128x2048xf32, #tpu.memory_space<vmem>>, %arg3: memref<128x1xi32, #tpu.memory_space<vmem>>, %arg4: memref<128x1xf32, #tpu.memory_space<vmem>>) attributes {dimension_semantics = [#tpu.dimension_semantics<arbitrary>], iteration_bounds = array<i64: 49>, scalar_prefetch = 0 : i64, scratch_operands = 1 : i64, tpu.core_type = #tpu.core_type<tc>, window_params = [{transform_indices = @transform_0, window_bounds = array<i64: 128, 2048>}, {transform_indices = @transform_1, window_bounds = array<i64: 128, 2048>}, {pipeline_mode = #tpu.pipeline_mode<synchronous>, transform_indices = @transform_2, window_bounds = array<i64: 128, 1>}]} {
    %iota3A = tpu.iota {dimensions = array<i32: 1>} : vector<128x2048xi32>
    %mul3A = arith.constant 2048 : i32
    %mul3A_0 = arith.muli %arg0, %mul3A : i32
    %add3A = vector.broadcast %mul3A_0 : i32 to vector<128x2048xi32>
    %add3A_1 = arith.addi %iota3A, %add3A : vector<128x2048xi32>
    %iota3A_2 = tpu.iota {dimensions = array<i32: 0>} : vector<128x2048xi32>
    %mul3A_3 = arith.constant 100000 : i32
    %mul3A_4 = vector.broadcast %mul3A_3 : i32 to vector<128x2048xi32>
    %mul3A_5 = arith.muli %iota3A_2, %mul3A_4 : vector<128x2048xi32>
    %add3A_6 = arith.addi %mul3A_5, %add3A_1 : vector<128x2048xi32>
    %broadcast_in_dim3A = arith.constant 0 : i32
    %broadcast_in_dim3A_7 = vector.broadcast %broadcast_in_dim3A : i32 to vector<128x2048xi32>
    %add3A_8 = arith.constant 0 : i32
    %add3A_9 = vector.broadcast %add3A_8 : i32 to vector<128x2048xi32>
    %add3A_10 = arith.addi %broadcast_in_dim3A_7, %add3A_9 : vector<128x2048xi32>
    %add3A_11 = arith.constant 42 : i32
    %add3A_12 = vector.broadcast %add3A_11 : i32 to vector<128x2048xi32>
    %add3A_13 = arith.addi %add3A_6, %add3A_12 : vector<128x2048xi32>
    %add3A_14 = arith.addi %add3A_10, %add3A_13 : vector<128x2048xi32>
    %shift_left3A = arith.constant 13 : i32
    %shift_left3A_15 = vector.broadcast %shift_left3A : i32 to vector<128x2048xi32>
    %shift_left3A_16 = arith.shli %add3A_13, %shift_left3A_15 : vector<128x2048xi32>
    %shift_right_logical3A = arith.constant 19 : i32
    %shift_right_logical3A_17 = vector.broadcast %shift_right_logical3A : i32 to vector<128x2048xi32>
    %shift_right_logical3A_18 = arith.shrui %add3A_13, %shift_right_logical3A_17 : vector<128x2048xi32>
    %or3A = arith.ori %shift_left3A_16, %shift_right_logical3A_18 : vector<128x2048xi32>
    %xor3A = arith.xori %or3A, %add3A_14 : vector<128x2048xi32>
    %add3A_19 = arith.addi %add3A_14, %xor3A : vector<128x2048xi32>
    %shift_left3A_20 = arith.constant 15 : i32
    %shift_left3A_21 = vector.broadcast %shift_left3A_20 : i32 to vector<128x2048xi32>
    %shift_left3A_22 = arith.shli %xor3A, %shift_left3A_21 : vector<128x2048xi32>
    %shift_right_logical3A_23 = arith.constant 17 : i32
    %shift_right_logical3A_24 = vector.broadcast %shift_right_logical3A_23 : i32 to vector<128x2048xi32>
    %shift_right_logical3A_25 = arith.shrui %xor3A, %shift_right_logical3A_24 : vector<128x2048xi32>
    %or3A_26 = arith.ori %shift_left3A_22, %shift_right_logical3A_25 : vector<128x2048xi32>
    %xor3A_27 = arith.xori %or3A_26, %add3A_19 : vector<128x2048xi32>
    %add3A_28 = arith.addi %add3A_19, %xor3A_27 : vector<128x2048xi32>
    %shift_left3A_29 = arith.constant 26 : i32
    %shift_left3A_30 = vector.broadcast %shift_left3A_29 : i32 to vector<128x2048xi32>
    %shift_left3A_31 = arith.shli %xor3A_27, %shift_left3A_30 : vector<128x2048xi32>
    %shift_right_logical3A_32 = arith.constant 6 : i32
    %shift_right_logical3A_33 = vector.broadcast %shift_right_logical3A_32 : i32 to vector<128x2048xi32>
    %shift_right_logical3A_34 = arith.shrui %xor3A_27, %shift_right_logical3A_33 : vector<128x2048xi32>
    %or3A_35 = arith.ori %shift_left3A_31, %shift_right_logical3A_34 : vector<128x2048xi32>
    %xor3A_36 = arith.xori %or3A_35, %add3A_28 : vector<128x2048xi32>
    %add3A_37 = arith.addi %add3A_28, %xor3A_36 : vector<128x2048xi32>
    %shift_left3A_38 = arith.constant 6 : i32
    %shift_left3A_39 = vector.broadcast %shift_left3A_38 : i32 to vector<128x2048xi32>
    %shift_left3A_40 = arith.shli %xor3A_36, %shift_left3A_39 : vector<128x2048xi32>
    %shift_right_logical3A_41 = arith.constant 26 : i32
    %shift_right_logical3A_42 = vector.broadcast %shift_right_logical3A_41 : i32 to vector<128x2048xi32>
    %shift_right_logical3A_43 = arith.shrui %xor3A_36, %shift_right_logical3A_42 : vector<128x2048xi32>
    %or3A_44 = arith.ori %shift_left3A_40, %shift_right_logical3A_43 : vector<128x2048xi32>
    %xor3A_45 = arith.xori %or3A_44, %add3A_37 : vector<128x2048xi32>
    %add3A_46 = arith.constant 42 : i32
    %add3A_47 = vector.broadcast %add3A_46 : i32 to vector<128x2048xi32>
    %add3A_48 = arith.addi %add3A_37, %add3A_47 : vector<128x2048xi32>
    %add3A_49 = arith.constant 466689009 : i32
    %add3A_50 = vector.broadcast %add3A_49 : i32 to vector<128x2048xi32>
    %add3A_51 = arith.addi %xor3A_45, %add3A_50 : vector<128x2048xi32>
    %add3A_52 = arith.addi %add3A_48, %add3A_51 : vector<128x2048xi32>
    %shift_left3A_53 = arith.constant 17 : i32
    %shift_left3A_54 = vector.broadcast %shift_left3A_53 : i32 to vector<128x2048xi32>
    %shift_left3A_55 = arith.shli %add3A_51, %shift_left3A_54 : vector<128x2048xi32>
    %shift_right_logical3A_56 = arith.constant 15 : i32
    %shift_right_logical3A_57 = vector.broadcast %shift_right_logical3A_56 : i32 to vector<128x2048xi32>
    %shift_right_logical3A_58 = arith.shrui %add3A_51, %shift_right_logical3A_57 : vector<128x2048xi32>
    %or3A_59 = arith.ori %shift_left3A_55, %shift_right_logical3A_58 : vector<128x2048xi32>
    %xor3A_60 = arith.xori %or3A_59, %add3A_52 : vector<128x2048xi32>
    %add3A_61 = arith.addi %add3A_52, %xor3A_60 : vector<128x2048xi32>
    %shift_left3A_62 = arith.constant 29 : i32
    %shift_left3A_63 = vector.broadcast %shift_left3A_62 : i32 to vector<128x2048xi32>
    %shift_left3A_64 = arith.shli %xor3A_60, %shift_left3A_63 : vector<128x2048xi32>
    %shift_right_logical3A_65 = arith.constant 3 : i32
    %shift_right_logical3A_66 = vector.broadcast %shift_right_logical3A_65 : i32 to vector<128x2048xi32>
    %shift_right_logical3A_67 = arith.shrui %xor3A_60, %shift_right_logical3A_66 : vector<128x2048xi32>
    %or3A_68 = arith.ori %shift_left3A_64, %shift_right_logical3A_67 : vector<128x2048xi32>
    %xor3A_69 = arith.xori %or3A_68, %add3A_61 : vector<128x2048xi32>
    %add3A_70 = arith.addi %add3A_61, %xor3A_69 : vector<128x2048xi32>
    %shift_left3A_71 = arith.constant 16 : i32
    %shift_left3A_72 = vector.broadcast %shift_left3A_71 : i32 to vector<128x2048xi32>
    %shift_left3A_73 = arith.shli %xor3A_69, %shift_left3A_72 : vector<128x2048xi32>
    %shift_right_logical3A_74 = arith.constant 16 : i32
    %shift_right_logical3A_75 = vector.broadcast %shift_right_logical3A_74 : i32 to vector<128x2048xi32>
    %shift_right_logical3A_76 = arith.shrui %xor3A_69, %shift_right_logical3A_75 : vector<128x2048xi32>
    %or3A_77 = arith.ori %shift_left3A_73, %shift_right_logical3A_76 : vector<128x2048xi32>
    %xor3A_78 = arith.xori %or3A_77, %add3A_70 : vector<128x2048xi32>
    %add3A_79 = arith.addi %add3A_70, %xor3A_78 : vector<128x2048xi32>
    %shift_left3A_80 = arith.constant 24 : i32
    %shift_left3A_81 = vector.broadcast %shift_left3A_80 : i32 to vector<128x2048xi32>
    %shift_left3A_82 = arith.shli %xor3A_78, %shift_left3A_81 : vector<128x2048xi32>
    %shift_right_logical3A_83 = arith.constant 8 : i32
    %shift_right_logical3A_84 = vector.broadcast %shift_right_logical3A_83 : i32 to vector<128x2048xi32>
    %shift_right_logical3A_85 = arith.shrui %xor3A_78, %shift_right_logical3A_84 : vector<128x2048xi32>
    %or3A_86 = arith.ori %shift_left3A_82, %shift_right_logical3A_85 : vector<128x2048xi32>
    %xor3A_87 = arith.xori %or3A_86, %add3A_79 : vector<128x2048xi32>
    %add3A_88 = arith.constant 466689008 : i32
    %add3A_89 = vector.broadcast %add3A_88 : i32 to vector<128x2048xi32>
    %add3A_90 = arith.addi %add3A_79, %add3A_89 : vector<128x2048xi32>
    %add3A_91 = arith.constant 2 : i32
    %add3A_92 = vector.broadcast %add3A_91 : i32 to vector<128x2048xi32>
    %add3A_93 = arith.addi %xor3A_87, %add3A_92 : vector<128x2048xi32>
    %add3A_94 = arith.addi %add3A_90, %add3A_93 : vector<128x2048xi32>
    %shift_left3A_95 = arith.constant 13 : i32
    %shift_left3A_96 = vector.broadcast %shift_left3A_95 : i32 to vector<128x2048xi32>
    %shift_left3A_97 = arith.shli %add3A_93, %shift_left3A_96 : vector<128x2048xi32>
    %shift_right_logical3A_98 = arith.constant 19 : i32
    %shift_right_logical3A_99 = vector.broadcast %shift_right_logical3A_98 : i32 to vector<128x2048xi32>
    %shift_right_logical3A_100 = arith.shrui %add3A_93, %shift_right_logical3A_99 : vector<128x2048xi32>
    %or3A_101 = arith.ori %shift_left3A_97, %shift_right_logical3A_100 : vector<128x2048xi32>
    %xor3A_102 = arith.xori %or3A_101, %add3A_94 : vector<128x2048xi32>
    %add3A_103 = arith.addi %add3A_94, %xor3A_102 : vector<128x2048xi32>
    %shift_left3A_104 = arith.constant 15 : i32
    %shift_left3A_105 = vector.broadcast %shift_left3A_104 : i32 to vector<128x2048xi32>
    %shift_left3A_106 = arith.shli %xor3A_102, %shift_left3A_105 : vector<128x2048xi32>
    %shift_right_logical3A_107 = arith.constant 17 : i32
    %shift_right_logical3A_108 = vector.broadcast %shift_right_logical3A_107 : i32 to vector<128x2048xi32>
    %shift_right_logical3A_109 = arith.shrui %xor3A_102, %shift_right_logical3A_108 : vector<128x2048xi32>
    %or3A_110 = arith.ori %shift_left3A_106, %shift_right_logical3A_109 : vector<128x2048xi32>
    %xor3A_111 = arith.xori %or3A_110, %add3A_103 : vector<128x2048xi32>
    %add3A_112 = arith.addi %add3A_103, %xor3A_111 : vector<128x2048xi32>
    %shift_left3A_113 = arith.constant 26 : i32
    %shift_left3A_114 = vector.broadcast %shift_left3A_113 : i32 to vector<128x2048xi32>
    %shift_left3A_115 = arith.shli %xor3A_111, %shift_left3A_114 : vector<128x2048xi32>
    %shift_right_logical3A_116 = arith.constant 6 : i32
    %shift_right_logical3A_117 = vector.broadcast %shift_right_logical3A_116 : i32 to vector<128x2048xi32>
    %shift_right_logical3A_118 = arith.shrui %xor3A_111, %shift_right_logical3A_117 : vector<128x2048xi32>
    %or3A_119 = arith.ori %shift_left3A_115, %shift_right_logical3A_118 : vector<128x2048xi32>
    %xor3A_120 = arith.xori %or3A_119, %add3A_112 : vector<128x2048xi32>
    %add3A_121 = arith.addi %add3A_112, %xor3A_120 : vector<128x2048xi32>
    %shift_left3A_122 = arith.constant 6 : i32
    %shift_left3A_123 = vector.broadcast %shift_left3A_122 : i32 to vector<128x2048xi32>
    %shift_left3A_124 = arith.shli %xor3A_120, %shift_left3A_123 : vector<128x2048xi32>
    %shift_right_logical3A_125 = arith.constant 26 : i32
    %shift_right_logical3A_126 = vector.broadcast %shift_right_logical3A_125 : i32 to vector<128x2048xi32>
    %shift_right_logical3A_127 = arith.shrui %xor3A_120, %shift_right_logical3A_126 : vector<128x2048xi32>
    %or3A_128 = arith.ori %shift_left3A_124, %shift_right_logical3A_127 : vector<128x2048xi32>
    %xor3A_129 = arith.xori %or3A_128, %add3A_121 : vector<128x2048xi32>
    %add3A_130 = arith.constant 0 : i32
    %add3A_131 = vector.broadcast %add3A_130 : i32 to vector<128x2048xi32>
    %add3A_132 = arith.addi %add3A_121, %add3A_131 : vector<128x2048xi32>
    %add3A_133 = arith.constant 45 : i32
    %add3A_134 = vector.broadcast %add3A_133 : i32 to vector<128x2048xi32>
    %add3A_135 = arith.addi %xor3A_129, %add3A_134 : vector<128x2048xi32>
    %add3A_136 = arith.addi %add3A_132, %add3A_135 : vector<128x2048xi32>
    %shift_left3A_137 = arith.constant 17 : i32
    %shift_left3A_138 = vector.broadcast %shift_left3A_137 : i32 to vector<128x2048xi32>
    %shift_left3A_139 = arith.shli %add3A_135, %shift_left3A_138 : vector<128x2048xi32>
    %shift_right_logical3A_140 = arith.constant 15 : i32
    %shift_right_logical3A_141 = vector.broadcast %shift_right_logical3A_140 : i32 to vector<128x2048xi32>
    %shift_right_logical3A_142 = arith.shrui %add3A_135, %shift_right_logical3A_141 : vector<128x2048xi32>
    %or3A_143 = arith.ori %shift_left3A_139, %shift_right_logical3A_142 : vector<128x2048xi32>
    %xor3A_144 = arith.xori %or3A_143, %add3A_136 : vector<128x2048xi32>
    %add3A_145 = arith.addi %add3A_136, %xor3A_144 : vector<128x2048xi32>
    %shift_left3A_146 = arith.constant 29 : i32
    %shift_left3A_147 = vector.broadcast %shift_left3A_146 : i32 to vector<128x2048xi32>
    %shift_left3A_148 = arith.shli %xor3A_144, %shift_left3A_147 : vector<128x2048xi32>
    %shift_right_logical3A_149 = arith.constant 3 : i32
    %shift_right_logical3A_150 = vector.broadcast %shift_right_logical3A_149 : i32 to vector<128x2048xi32>
    %shift_right_logical3A_151 = arith.shrui %xor3A_144, %shift_right_logical3A_150 : vector<128x2048xi32>
    %or3A_152 = arith.ori %shift_left3A_148, %shift_right_logical3A_151 : vector<128x2048xi32>
    %xor3A_153 = arith.xori %or3A_152, %add3A_145 : vector<128x2048xi32>
    %add3A_154 = arith.addi %add3A_145, %xor3A_153 : vector<128x2048xi32>
    %shift_left3A_155 = arith.constant 16 : i32
    %shift_left3A_156 = vector.broadcast %shift_left3A_155 : i32 to vector<128x2048xi32>
    %shift_left3A_157 = arith.shli %xor3A_153, %shift_left3A_156 : vector<128x2048xi32>
    %shift_right_logical3A_158 = arith.constant 16 : i32
    %shift_right_logical3A_159 = vector.broadcast %shift_right_logical3A_158 : i32 to vector<128x2048xi32>
    %shift_right_logical3A_160 = arith.shrui %xor3A_153, %shift_right_logical3A_159 : vector<128x2048xi32>
    %or3A_161 = arith.ori %shift_left3A_157, %shift_right_logical3A_160 : vector<128x2048xi32>
    %xor3A_162 = arith.xori %or3A_161, %add3A_154 : vector<128x2048xi32>
    %add3A_163 = arith.addi %add3A_154, %xor3A_162 : vector<128x2048xi32>
    %shift_left3A_164 = arith.constant 24 : i32
    %shift_left3A_165 = vector.broadcast %shift_left3A_164 : i32 to vector<128x2048xi32>
    %shift_left3A_166 = arith.shli %xor3A_162, %shift_left3A_165 : vector<128x2048xi32>
    %shift_right_logical3A_167 = arith.constant 8 : i32
    %shift_right_logical3A_168 = vector.broadcast %shift_right_logical3A_167 : i32 to vector<128x2048xi32>
    %shift_right_logical3A_169 = arith.shrui %xor3A_162, %shift_right_logical3A_168 : vector<128x2048xi32>
    %or3A_170 = arith.ori %shift_left3A_166, %shift_right_logical3A_169 : vector<128x2048xi32>
    %xor3A_171 = arith.xori %or3A_170, %add3A_163 : vector<128x2048xi32>
    %add3A_172 = arith.constant 42 : i32
    %add3A_173 = vector.broadcast %add3A_172 : i32 to vector<128x2048xi32>
    %add3A_174 = arith.addi %add3A_163, %add3A_173 : vector<128x2048xi32>
    %add3A_175 = arith.constant 466689012 : i32
    %add3A_176 = vector.broadcast %add3A_175 : i32 to vector<128x2048xi32>
    %add3A_177 = arith.addi %xor3A_171, %add3A_176 : vector<128x2048xi32>
    %add3A_178 = arith.addi %add3A_174, %add3A_177 : vector<128x2048xi32>
    %shift_left3A_179 = arith.constant 13 : i32
    %shift_left3A_180 = vector.broadcast %shift_left3A_179 : i32 to vector<128x2048xi32>
    %shift_left3A_181 = arith.shli %add3A_177, %shift_left3A_180 : vector<128x2048xi32>
    %shift_right_logical3A_182 = arith.constant 19 : i32
    %shift_right_logical3A_183 = vector.broadcast %shift_right_logical3A_182 : i32 to vector<128x2048xi32>
    %shift_right_logical3A_184 = arith.shrui %add3A_177, %shift_right_logical3A_183 : vector<128x2048xi32>
    %or3A_185 = arith.ori %shift_left3A_181, %shift_right_logical3A_184 : vector<128x2048xi32>
    %xor3A_186 = arith.xori %or3A_185, %add3A_178 : vector<128x2048xi32>
    %add3A_187 = arith.addi %add3A_178, %xor3A_186 : vector<128x2048xi32>
    %shift_left3A_188 = arith.constant 15 : i32
    %shift_left3A_189 = vector.broadcast %shift_left3A_188 : i32 to vector<128x2048xi32>
    %shift_left3A_190 = arith.shli %xor3A_186, %shift_left3A_189 : vector<128x2048xi32>
    %shift_right_logical3A_191 = arith.constant 17 : i32
    %shift_right_logical3A_192 = vector.broadcast %shift_right_logical3A_191 : i32 to vector<128x2048xi32>
    %shift_right_logical3A_193 = arith.shrui %xor3A_186, %shift_right_logical3A_192 : vector<128x2048xi32>
    %or3A_194 = arith.ori %shift_left3A_190, %shift_right_logical3A_193 : vector<128x2048xi32>
    %xor3A_195 = arith.xori %or3A_194, %add3A_187 : vector<128x2048xi32>
    %add3A_196 = arith.addi %add3A_187, %xor3A_195 : vector<128x2048xi32>
    %shift_left3A_197 = arith.constant 26 : i32
    %shift_left3A_198 = vector.broadcast %shift_left3A_197 : i32 to vector<128x2048xi32>
    %shift_left3A_199 = arith.shli %xor3A_195, %shift_left3A_198 : vector<128x2048xi32>
    %shift_right_logical3A_200 = arith.constant 6 : i32
    %shift_right_logical3A_201 = vector.broadcast %shift_right_logical3A_200 : i32 to vector<128x2048xi32>
    %shift_right_logical3A_202 = arith.shrui %xor3A_195, %shift_right_logical3A_201 : vector<128x2048xi32>
    %or3A_203 = arith.ori %shift_left3A_199, %shift_right_logical3A_202 : vector<128x2048xi32>
    %xor3A_204 = arith.xori %or3A_203, %add3A_196 : vector<128x2048xi32>
    %add3A_205 = arith.addi %add3A_196, %xor3A_204 : vector<128x2048xi32>
    %shift_left3A_206 = arith.constant 6 : i32
    %shift_left3A_207 = vector.broadcast %shift_left3A_206 : i32 to vector<128x2048xi32>
    %shift_left3A_208 = arith.shli %xor3A_204, %shift_left3A_207 : vector<128x2048xi32>
    %shift_right_logical3A_209 = arith.constant 26 : i32
    %shift_right_logical3A_210 = vector.broadcast %shift_right_logical3A_209 : i32 to vector<128x2048xi32>
    %shift_right_logical3A_211 = arith.shrui %xor3A_204, %shift_right_logical3A_210 : vector<128x2048xi32>
    %or3A_212 = arith.ori %shift_left3A_208, %shift_right_logical3A_211 : vector<128x2048xi32>
    %xor3A_213 = arith.xori %or3A_212, %add3A_205 : vector<128x2048xi32>
    %add3A_214 = arith.constant 466689008 : i32
    %add3A_215 = vector.broadcast %add3A_214 : i32 to vector<128x2048xi32>
    %add3A_216 = arith.addi %add3A_205, %add3A_215 : vector<128x2048xi32>
    %add3A_217 = arith.constant 5 : i32
    %add3A_218 = vector.broadcast %add3A_217 : i32 to vector<128x2048xi32>
    %add3A_219 = arith.addi %xor3A_213, %add3A_218 : vector<128x2048xi32>
    %xor3A_220 = arith.xori %add3A_216, %add3A_219 : vector<128x2048xi32>
    %shift_right_logical3A_221 = arith.constant 9 : i32
    %shift_right_logical3A_222 = vector.broadcast %shift_right_logical3A_221 : i32 to vector<128x2048xi32>
    %shift_right_logical3A_223 = arith.shrui %xor3A_220, %shift_right_logical3A_222 : vector<128x2048xi32>
    %or3A_224 = arith.constant 1065353216 : i32
    %or3A_225 = vector.broadcast %or3A_224 : i32 to vector<128x2048xi32>
    %or3A_226 = arith.ori %shift_right_logical3A_223, %or3A_225 : vector<128x2048xi32>
    %bitcast_convert_type3A = tpu.bitcast %or3A_226 : vector<128x2048xi32> -> vector<128x2048xf32>
    %sub3A = arith.constant 1.000000e+00 : f32
    %sub3A_227 = vector.broadcast %sub3A : f32 to vector<128x2048xf32>
    %sub3A_228 = arith.subf %bitcast_convert_type3A, %sub3A_227 : vector<128x2048xf32>
    %add3A_229 = arith.constant 9.99999993E-9 : f32
    %add3A_230 = vector.broadcast %add3A_229 : f32 to vector<128x2048xf32>
    %add3A_231 = arith.addf %sub3A_228, %add3A_230 : vector<128x2048xf32>
    %log3A = math.log %add3A_231 : vector<128x2048xf32>
    %neg3A = arith.constant 0.000000e+00 : f32
    %neg3A_232 = vector.broadcast %neg3A : f32 to vector<128x2048xf32>
    %neg3A_233 = arith.subf %neg3A_232, %log3A : vector<128x2048xf32>
    %add3A_234 = arith.constant 9.99999993E-9 : f32
    %add3A_235 = vector.broadcast %add3A_234 : f32 to vector<128x2048xf32>
    %add3A_236 = arith.addf %neg3A_233, %add3A_235 : vector<128x2048xf32>
    %log3A_237 = math.log %add3A_236 : vector<128x2048xf32>
    %neg3A_238 = arith.constant 0.000000e+00 : f32
    %neg3A_239 = vector.broadcast %neg3A_238 : f32 to vector<128x2048xf32>
    %neg3A_240 = arith.subf %neg3A_239, %log3A_237 : vector<128x2048xf32>
    %get3A = arith.constant 0 : index
    %get3A_241 = arith.constant 0 : index
    %get3A_242 = vector.load %arg1[%get3A, %get3A_241] : memref<128x2048xf32, #tpu.memory_space<vmem>>, vector<128x2048xf32>
    %add3A_243 = arith.addf %get3A_242, %neg3A_240 : vector<128x2048xf32>
    %div3A = arith.constant 5.000000e+00 : f32
    %div3A_244 = vector.broadcast %div3A : f32 to vector<128x2048xf32>
    %div3A_245 = arith.divf %add3A_243, %div3A_244 : vector<128x2048xf32>
    %lt3A = arith.constant 100000 : i32
    %lt3A_246 = vector.broadcast %lt3A : i32 to vector<128x2048xi32>
    %lt3A_247 = arith.cmpi slt, %add3A_1, %lt3A_246 : vector<128x2048xi32>
    %jit3A = arith.constant 0xFF800000 : f32
    %broadcast_in_dim3A_248 = vector.broadcast %jit3A : f32 to vector<128x2048xf32>
    %select_n3A = arith.select %lt3A_247, %div3A_245, %broadcast_in_dim3A_248 : vector<128x2048xi1>, vector<128x2048xf32>
    %broadcast_in_dim3A_249 = arith.constant 0.000000e+00 : f32
    %broadcast_in_dim3A_250 = vector.broadcast %broadcast_in_dim3A_249 : f32 to vector<128x2048xf32>
    %swap3A = arith.constant 0 : index
    %swap3A_251 = arith.constant 0 : index
    %swap3A_252 = vector.load %arg2[%swap3A, %swap3A_251] : memref<128x2048xf32, #tpu.memory_space<vmem>>, vector<128x2048xf32>
    tpu.vector_store %arg2[%swap3A, %swap3A_251], %broadcast_in_dim3A_250 {strides = array<i32>} : memref<128x2048xf32, #tpu.memory_space<vmem>>, vector<128x2048xf32>,
    %reduce_max3A = arith.constant dense<0xFF800000> : vector<128xf32>
    %reduce_max3A_253 = vector.multi_reduction <maximumf>, %select_n3A, %reduce_max3A [1] : vector<128x2048xf32> to vector<128xf32>
    %broadcast_in_dim3A_254 = vector.shape_cast %reduce_max3A_253 : vector<128xf32> to vector<128x1xf32>
    %eq3A = vector.broadcast %broadcast_in_dim3A_254 : vector<128x1xf32> to vector<128x2048xf32>
    %eq3A_255 = arith.cmpf oeq, %select_n3A, %eq3A : vector<128x2048xf32>
    %jit3A_256 = arith.constant 2147483647 : i32
    %broadcast_in_dim3A_257 = vector.broadcast %jit3A_256 : i32 to vector<128x2048xi32>
    %select_n3A_258 = arith.select %eq3A_255, %add3A_1, %broadcast_in_dim3A_257 : vector<128x2048xi1>, vector<128x2048xi32>
    %reduce_min3A = arith.constant dense<2147483647> : vector<128xi32>
    %reduce_min3A_259 = vector.multi_reduction <minsi>, %select_n3A_258, %reduce_min3A [1] : vector<128x2048xi32> to vector<128xi32>
    %broadcast_in_dim3A_260 = vector.shape_cast %reduce_min3A_259 : vector<128xi32> to vector<128x1xi32>
    %eq3A_261 = arith.constant 0 : i32
    %eq3A_262 = arith.cmpi eq, %arg0, %eq3A_261 : i32
    %convert_element_type3A = arith.extui %eq3A_262 : i1 to i32
    %cond3A = arith.constant 0 : i32
    %cond3A_263 = arith.cmpi ne, %convert_element_type3A, %cond3A : i32
    scf.if %cond3A_263 {
      %swap3A_268 = arith.constant 0 : index
      %swap3A_269 = arith.constant 0 : index
      %swap3A_270 = vector.load %arg4[%swap3A_268, %swap3A_269] : memref<128x1xf32, #tpu.memory_space<vmem>>, vector<128x1xf32>
      tpu.vector_store %arg4[%swap3A_268, %swap3A_269], %broadcast_in_dim3A_254 {strides = array<i32>} : memref<128x1xf32, #tpu.memory_space<vmem>>, vector<128x1xf32>,
      %swap3A_271 = arith.constant 0 : index
      %swap3A_272 = arith.constant 0 : index
      %swap3A_273 = vector.load %arg3[%swap3A_271, %swap3A_272] : memref<128x1xi32, #tpu.memory_space<vmem>>, vector<128x1xi32>
      tpu.vector_store %arg3[%swap3A_271, %swap3A_272], %broadcast_in_dim3A_260 {strides = array<i32>} : memref<128x1xi32, #tpu.memory_space<vmem>>, vector<128x1xi32>,
    } else {
    }
    %gt3A = arith.constant 0 : i32
    %gt3A_264 = arith.cmpi sgt, %arg0, %gt3A : i32
    %convert_element_type3A_265 = arith.extui %gt3A_264 : i1 to i32
    %cond3A_266 = arith.constant 0 : i32
    %cond3A_267 = arith.cmpi ne, %convert_element_type3A_265, %cond3A_266 : i32
    scf.if %cond3A_267 {
      %get3A_268 = arith.constant 0 : index
      %get3A_269 = arith.constant 0 : index
      %get3A_270 = vector.load %arg4[%get3A_268, %get3A_269] : memref<128x1xf32, #tpu.memory_space<vmem>>, vector<128x1xf32>
      %gt3A_271 = arith.cmpf ogt, %broadcast_in_dim3A_254, %get3A_270 : vector<128x1xf32>
      %get3A_272 = arith.constant 0 : index
      %get3A_273 = arith.constant 0 : index
      %get3A_274 = vector.load %arg4[%get3A_272, %get3A_273] : memref<128x1xf32, #tpu.memory_space<vmem>>, vector<128x1xf32>
      %select_n3A_275 = arith.select %gt3A_271, %broadcast_in_dim3A_254, %get3A_274 : vector<128x1xi1>, vector<128x1xf32>
      %swap3A_276 = arith.constant 0 : index
      %swap3A_277 = arith.constant 0 : index
      %swap3A_278 = vector.load %arg4[%swap3A_276, %swap3A_277] : memref<128x1xf32, #tpu.memory_space<vmem>>, vector<128x1xf32>
      tpu.vector_store %arg4[%swap3A_276, %swap3A_277], %select_n3A_275 {strides = array<i32>} : memref<128x1xf32, #tpu.memory_space<vmem>>, vector<128x1xf32>,
      %get3A_279 = arith.constant 0 : index
      %get3A_280 = arith.constant 0 : index
      %get3A_281 = vector.load %arg3[%get3A_279, %get3A_280] : memref<128x1xi32, #tpu.memory_space<vmem>>, vector<128x1xi32>
      %select_n3A_282 = arith.select %gt3A_271, %broadcast_in_dim3A_260, %get3A_281 : vector<128x1xi1>, vector<128x1xi32>
      %swap3A_283 = arith.constant 0 : index
      %swap3A_284 = arith.constant 0 : index
      %swap3A_285 = vector.load %arg3[%swap3A_283, %swap3A_284] : memref<128x1xi32, #tpu.memory_space<vmem>>, vector<128x1xi32>
      tpu.vector_store %arg3[%swap3A_283, %swap3A_284], %select_n3A_282 {strides = array<i32>} : memref<128x1xi32, #tpu.memory_space<vmem>>, vector<128x1xi32>,
    } else {
    }
    return
  }
  func.func @transform_0(%arg0: i32) -> (i32, i32) {
    %c0_i32 = arith.constant 0 : i32
    %c0_i32_0 = arith.constant 0 : i32
    return %c0_i32, %arg0 : i32, i32
  }
  func.func @transform_1(%arg0: i32) -> (i32, i32) {
    %c0_i32 = arith.constant 0 : i32
    %c0_i32_0 = arith.constant 0 : i32
    return %c0_i32, %arg0 : i32, i32
  }
  func.func @transform_2(%arg0: i32) -> (i32, i32) {
    %c0_i32 = arith.constant 0 : i32
    %c0_i32_0 = arith.constant 0 : i32
    %c0_i32_1 = arith.constant 0 : i32
    return %c0_i32, %c0_i32_0 : i32, i32
  }
}

</mosaic_0001>

<sc_bundles>
// kernel: kernel.4.cloned.1.call-start
scs
__scs_entry_jumppad:
0x0: {  	(pc) =	sbr.rel $0x88, $3  }
0x1: {  	(tag) =	ssettag $0x0;
	lr =	simm.s32 $0x1  }
0x2: {  	[smem:$0x3FA0] =	sst lr;
	_ =	strace $0xD0000000  }
0x3: {  	_ = 	snop  }
0x4: {  	_ = 	snop  }
0x5: {  	_ = 	snop  }
0x6: {  	_ = 	snop  }
0x7: {  	_ = 	snop  }
__scs_overlays_trampoline_lowered:
0x8: {  	[smem:$0x3FAF] =	sst s0  }
0x9: {  	[smem:$0x3FB0] =	sst s1  }
0xa: {  	[smem:$0x3FB1] =	sst s2  }
0xb: {  	[smem:$0x3FB2] =	sst s3  }
0xc: {  	[smem:$0x3FB3] =	sst s4  }
0xd: {  	[smem:$0x3FB4] =	sst s5  }
0xe: {  	[smem:$0x3FB5] =	sst s6  }
0xf: {  	[smem:$0x3FB6] =	sst s7  }
0x10: {  	[smem:$0x3FB7] =	sst s8  }
0x11: {  	[smem:$0x3FB8] =	sst s9;
	s0 =	simm.s32 @!p0 $0x0  }
0x12: {  	s1 =	sld [smem:$0x3F9E];
	s0 =	simm.s32 @p0 $0x1  }
0x13: {  	[smem:$0x3FB9] =	sst s0;
	s0 =	simm.s32 @!p1 $0x0  }
0x14: {  	s2 =	sld [smem:$0x3F9D];
	s0 =	simm.s32 @p1 $0x1  }
0x15: {  	[smem:$0x3FBA] =	sst s0;
	s0 =	simm.s32 @!p2 $0x0  }
0x16: {  	s3 =	sld [smem:$0x3FDB];
	s0 =	simm.s32 @p2 $0x1  }
0x17: {  	s4 =	simm.s32 $0x1BF5;
	[smem:$0x3FBC] =	sst s0  }
0x18: {  	s0 =	sld [smem:$0x3F9F];
	_ =	swait.ge [sflag:s4], $0x0  }
0x19: {  	s7 =	sld [smem:$0x3FA0]  }
0x1a: {  	s8 =	sadd.s32 $0xFFFFE003, lr  }
0x1b: {  	s9 =	sadd.s32 $0xFFFFFEF7, lr;
	s5 =	simm.s32 $0xFFFFFFFF;
	p2 =	slt.u32 s8, $0xFFFFF086  }
0x1c: {  	p1 =	slt.u32 s9, $0xF7A;
	s5 =	simm.s32 @!p2 $0x0  }
0x1d: {  	s5 =	simm.s32 @p1 $0x1;
	p0 =	seq.s32 s7, s2  }
0x1e: {  	s7 =	smul.u32 @!p0 $0xF7A, s2;
	p2 =	seq.s32 @!p0 s5, $0x0  }
0x1f: {  	s9 =	smul.u32 $0xF7A, s1;
	s8 =	simm.s32 @!p0 $0x1BF5;
	p2 =	por !p2, p0  }
0x20: {  	[sflag:s8] =	ssyncset.s32 @!p0 $0xFFFFF086;
	s6 =	sadd.s32 @!p0 s3, s7;
	s7 =	simm.s32 @!p0 $0x108  }
0x21: {  	s3 =	sadd.s32 s3, s9;
	s6 =	sadd.s32 @!p0 $0x88, s6;
	s7 =	simm.s32 @p2 $0x1082  }
0x22: {  	[simem:s7], [sflag:s8] =	dma.local @!p0 [hbm:s6], $0xF7A  }
0x23: {  	s9 =	sor.u32 $0xD0000000, s2;
	s6 =	simm.s32 $0x108;
	_ =	swait.ge @!p0 [sflag:s8], $0x0  }
0x24: {  	s3 =	sadd.s32 $0x88, s3;
	s6 =	simm.s32 @!p1 $0x1082;
	[sflag:s4] =	ssyncset.s32 $0xFFFFF086  }
0x25: {  	[simem:s6], [sflag:s4] =	dma.local [hbm:s3], $0xF7A  }
0x26: {  	[smem:$0x3FA0] =	sst s1;
	(tag) =	ssettag s2;
	_ =	strace s9  }
0x27: {  	s1 =	sld [smem:$0x3FB0]  }
0x28: {  	s2 =	sld [smem:$0x3FB1]  }
0x29: {  	s4 =	sld [smem:$0x3FB3]  }
0x2a: {  	p0 =	seq.s32 s5, $0x0;
	s5 =	sld [smem:$0x3FB4]  }
0x2b: {  	s6 =	sld [smem:$0x3FB5]  }
0x2c: {  	s7 =	sld [smem:$0x3FB6]  }
0x2d: {  	s3 =	simm.s32 $0x108;
	s8 =	sld [smem:$0x3FB7]  }
0x2e: {  	s3 =	simm.s32 @!p0 $0x1082;
	s9 =	sld [smem:$0x3FB8]  }
0x2f: {  	lr =	sadd.s32 s0, s3;
	s0 =	sld [smem:$0x3FAF]  }
0x30: {  	s3 =	sld [smem:$0x3FB2]  }
0x31: {  	[smem:$0x3FBB] =	sst s10  }
0x32: {  	s10 =	sld [smem:$0x3FB9];
	_ =	sdelay $0x3  }
0x33: {  	p0 =	seq.s32 s10, $0x1;
	s10 =	sld [smem:$0x3FBB];
	_ =	sdelay $0x3  }
0x34: {  	[smem:$0x3FBB] =	sst s10  }
0x35: {  	s10 =	sld [smem:$0x3FBA];
	_ =	sdelay $0x3  }
0x36: {  	p1 =	seq.s32 s10, $0x1;
	s10 =	sld [smem:$0x3FBB];
	_ =	sdelay $0x3  }
0x37: {  	[smem:$0x3FBB] =	sst s10  }
0x38: {  	s10 =	sld [smem:$0x3FBC]  }
0x39: {  	_ = 	snop;
	(pc) =	sbr.ind lr, $3  }
0x3a: {  	_ = 	snop  }
0x3b: {  	_ = 	snop  }
0x3c: {  	p2 =	seq.s32 s10, $0x1;
	s10 =	sld [smem:$0x3FBB]  }
0x3d: {  	_ =	shalt  }
0x3e: {  	_ =	shalt  }
0x3f: {  	_ =	shalt  }
0x40: {  	_ =	shalt  }
0x41: {  	_ =	shalt  }
0x42: {  	_ =	shalt  }
0x43: {  	_ =	shalt  }
0x44: {  	_ =	shalt  }
0x45: {  	_ =	shalt  }
0x46: {  	_ =	shalt  }
0x47: {  	_ =	shalt  }
0x48: {  	_ =	shalt  }
0x49: {  	_ =	shalt  }
0x4a: {  	_ =	shalt  }
0x4b: {  	_ =	shalt  }
0x4c: {  	_ =	shalt  }
0x4d: {  	_ =	shalt  }
0x4e: {  	_ =	shalt  }
0x4f: {  	_ =	shalt  }
0x50: {  	_ =	shalt  }
0x51: {  	_ =	shalt  }
0x52: {  	_ =	shalt  }
0x53: {  	_ =	shalt  }
0x54: {  	_ =	shalt  }
0x55: {  	_ =	shalt  }
0x56: {  	_ =	shalt  }
0x57: {  	_ =	shalt  }
0x58: {  	_ =	shalt  }
0x59: {  	_ =	shalt  }
0x5a: {  	_ =	shalt  }
0x5b: {  	_ =	shalt  }
0x5c: {  	_ =	shalt  }
0x5d: {  	_ =	shalt  }
0x5e: {  	_ =	shalt  }
0x5f: {  	_ =	shalt  }
0x60: {  	_ =	shalt  }
0x61: {  	_ =	shalt  }
0x62: {  	_ =	shalt  }
0x63: {  	_ =	shalt  }
0x64: {  	_ =	shalt  }
0x65: {  	_ =	shalt  }
0x66: {  	_ =	shalt  }
0x67: {  	_ =	shalt  }
0x68: {  	_ =	shalt  }
0x69: {  	_ =	shalt  }
0x6a: {  	_ =	shalt  }
0x6b: {  	_ =	shalt  }
0x6c: {  	_ =	shalt  }
0x6d: {  	_ =	shalt  }
0x6e: {  	_ =	shalt  }
0x6f: {  	_ =	shalt  }
0x70: {  	_ =	shalt  }
0x71: {  	_ =	shalt  }
0x72: {  	_ =	shalt  }
0x73: {  	_ =	shalt  }
0x74: {  	_ =	shalt  }
0x75: {  	_ =	shalt  }
0x76: {  	_ =	shalt  }
0x77: {  	_ =	shalt  }
0x78: {  	_ =	shalt  }
0x79: {  	_ =	shalt  }
0x7a: {  	_ =	shalt  }
0x7b: {  	_ =	shalt  }
0x7c: {  	_ =	shalt  }
0x7d: {  	_ =	shalt  }
0x7e: {  	_ =	shalt  }
0x7f: {  	_ =	shalt  }
0x80: {  	_ =	shalt  }
0x81: {  	_ =	shalt  }
0x82: {  	_ =	shalt  }
0x83: {  	_ =	shalt  }
0x84: {  	_ =	shalt  }
0x85: {  	_ =	shalt  }
0x86: {  	_ =	shalt  }
0x87: {  	_ =	shalt  }
.Lfunc_end0:
.L_simem_size_0:
called_computation.1_lowered:
.L_overlay_start_0:
0x88: {  	s2 =	sld [smem:$0x3FD9]  }
0x89: {  	s3 =	sld [smem:$0x3FFE];
	_ =	sdelay $0x1  }
0x8a: {  	s1 =	srdreg.scid  }
0x8b: {  	s0 =	sand.u32 $0x1, s1  }
0x8c: {  	s17 =	sshll.u32 s0, $0xA;
	s2 =	sadd.s32 s3, s2  }
0x8d: {  	s2 =	sadd.s32 s2, s17  }
0x8e: {  	[smem:$0x3FC7] =	sst s2  }
0x8f: {  	_ = 	snop  }
0x90: {  	s2 =	sld [smem:$0x3FD0];
	(tm) =	ssettm $0x1  }
0x91: {  	s18 =	sld [smem:$0x3FFB];
	_ =	sdelay $0x3  }
0x92: {  	_ =	strace s18  }
0x93: {  	s3 =	sld [smem:$0x3FFC];
	_ =	sdelay $0x3  }
0x94: {  	_ =	strace s3  }
0x95: {  	s3 =	sld [smem:$0x3FFD];
	_ =	sdelay $0x3  }
0x96: {  	_ =	strace s3  }
0x97: {  	_ =	strace $0x8FFFFFFF  }
0x98: {  	s19 =	sld [smem:$0x3FDB];
	_ =	sdelay $0x1  }
0x99: {  	s4 =	simm.s32 $_scs_section_size  }
0x9a: {  	s5 =	simm.s32 $_size__tile_overlayer_lowered;
	s6 =	simm.s32 $_tile_overlayer_lowered  }
0x9b: {  	s22 =	simm.s32 $0x1BFF;
	s21 =	sshll.u32 s6, $0x1;
	s3 =	sadd.s32 s4, s19  }
0x9c: {  	s7 =	simm.s32 $0x0;
	s20 =	sshll.u32 s5, $0x1;
	s5 =	sadd.s32 s21, s3  }
0x9d: {  	[timem:s7], [sflag:s22] =	dma.local [hbm:s5], s20  }
0x9e: {  	_ =	swait.ge [sflag:s22], s20  }
0x9f: {  	s4 =	ssub.s32 $0x0, s20;
	[sflag:s22] =	ssyncset.done $0x0  }
0xa0: {  	[sflag:s22] =	ssyncadd.s32 s4;
	_ =	sdelay $0x1  }
0xa1: {  	s23 =	simm.s32 $0x1B8B  }
0xa2: {  	_ =	swait.ge [sflag:s23], $0x1  }
0xa3: {  	[sflag:s23] =	ssyncset.done $0x0  }
0xa4: {  	s25 =	simm.s32 $0x1B8E;
	s24 =	sld [smem:$0x3FFE];
	[sflag:s23] =	ssyncadd.s32 $0xFFFFFFFF  }
0xa5: {  	s26 =	simm.s32 $execute0_lowered;
	[smem:$0x3FD2] =	sst s25  }
0xa6: {  	s5 =	sshll.u32 s26, $0x1;
	_ =	strace $0x80000046;
	[dreg:$0x1] =	wrdreg $0xFFFFFFFF  }
0xa7: {  	s28 =	simm.s32 $_size_execute0_lowered;
	s3 =	sadd.s32 s3, s5;
	[dreg:$0x0] =	wrdreg $0x0  }
0xa8: {  	s5 =	sshll.u32 s28, $0x1;
	[dreg:$0x2] =	wrdreg s3  }
0xa9: {  	[dreg:$0x3] =	wrdreg s5  }
0xaa: {  	[dreg:$0x4] =	wrdreg $0xC0  }
0xab: {  	_ =	task [dreg:s7], $0x5FFFF  }
0xac: {  	[dreg:$0x1] =	wrdreg $0xFFFFFFFF  }
0xad: {  	[dreg:$0x0] =	wrdreg $0x60  }
0xae: {  	[dreg:$0x2] =	wrdreg s24  }
0xaf: {  	[dreg:$0x3] =	wrdreg s2  }
0xb0: {  	[dreg:$0x4] =	wrdreg $0x9  }
0xb1: {  	_ =	task.clear_ibuf [dreg:s7], $0x5FFFF;
	_ =	strace $0x90000046  }
0xb2: {  	s29 =	simm.s32 $0x9;
	_ =	strace $0x80000048  }
0xb3: {  	_ =	swait.ge [sflag:s29], $0x1  }
0xb4: {  	[sflag:s29] =	ssyncadd.s32 $0xFFFFFFFF  }
0xb5: {  	_ =	strace $0x90000048  }
0xb6: {  	_ =	sfence  }
0xb7: {  	s30 =	sld [smem:$0x0];
	_ =	sdelay $0x2  }
0xb8: {  	s31 =	sshll.u32 s1, $0xD;
	s1 =	sshrl.u32 s1, $0x2  }
0xb9: {  	s3 =	sand.u32 $0x4000, s31;
	s1 =	sadd.s32 s1, s30  }
0xba: {  	s0 =	sor.u32 s3, s0;
	s1 =	sshll.u32 s1, $0x11  }
0xbb: {  	s0 =	sor.u32 s1, s0  }
0xbc: {  	s0 =	sadd.s32 $0x8F2B, s0  }
0xbd: {  	[sflag:s0] =	ssyncadd.remote.s32 $0x1  }
0xbe: {  	_ =	sfence.sel $0xFFFF  }
0xbf: {  	[dreg:$0x0] =	wrdreg $0xFFFFFFFF;
	(pc) =	sbr.abs _section_cstart, $3  }
0xc0: {  	[dreg:$0x1] =	wrdreg $0xFFFFFFFF  }
0xc1: {  	_ =	task.clear_ibuf [dreg:s7], $0x2FFFF;
	_ =	strace $0x9FFFFFFF  }
0xc2: {  	(tm) =	ssettm $0x7FFFFFFF  }
0xc3: {  	_ =	shalt  }
tec
execute0_lowered:
.L_overlay_start_1:
0x0: {  	(tag) =	ssettag $0x1  }
0x1: {  	s2 =	stileid.u32  }
0x2: {  	p0 =	sgt.u32 s2, $0x3  }
.Ltmp0:
0x3: {  	_ = 	snop;
	(pc) =	sbr.rel @p0 .LBB2_4-.Ltmp0, $4  }
0x4: {  	s0 =	rddreg [dreg:$0x0]  }
0x5: {  	s18 =	rddreg [dreg:$0x1];
	s3 =	simm.s32 $0x0  }
0x6: {  	[smem:$0x7FF] =	sst s3  }
0x7: {  	s1 =	rddreg [dreg:$0x2];
	_ =	strace $0x80000047  }
0x8: {  	s13 =	sshll.u32 s2, $0x1;
	s2 =	simm.s32 $0x80  }
0x9: {  	s4 =	simm.s32 $0x100;
	[dreg:$0x13] =	wrdreg s2  }
0xa: {  	s5 =	simm.s32 $0x180;
	[dreg:$0x14] =	wrdreg s4  }
0xb: {  	s7 =	simm.s32 $0x200;
	[dreg:$0x15] =	wrdreg s5  }
0xc: {  	s8 =	simm.s32 $0x280;
	[dreg:$0x16] =	wrdreg s7  }
0xd: {  	s9 =	simm.s32 $0x300;
	[dreg:$0x17] =	wrdreg s8  }
0xe: {  	s10 =	simm.s32 $0x380;
	[dreg:$0x18] =	wrdreg s9  }
0xf: {  	s1 =	srdreg.scid;
	s11 =	simm.s32 $0x400;
	[dreg:$0x19] =	wrdreg s10  }
0x10: {  	s12 =	simm.s32 $0x480;
	s6 =	sand.u32 $0x1, s1;
	[dreg:$0x1a] =	wrdreg s11  }
0x11: {  	s0 =	sadd.s32 $0x600, s0;
	[dreg:$0x1b] =	wrdreg s12;
	s1 =	sor.u32 s6, s13  }
0x12: {  	s13 =	simm.s32 $0x500;
	s21 =	smul.u32 $0x186A00, s1;
	s1 =	sshll.u32 s1, $0x1  }
0x13: {  	[dreg:$0x1c] =	wrdreg s13;
	s0 =	sadd.s32 s0, s1  }
0x14: {  	s14 =	sadd.s32 $0x186A0, s21;
	[dreg:$0x12] =	wrdreg s0  }
0x15: {  	s15 =	sadd.s32 $0x30D40, s21;
	[dreg:$0x3] =	wrdreg s14  }
0x16: {  	s16 =	sadd.s32 $0x493E0, s21;
	[dreg:$0x4] =	wrdreg s15  }
0x17: {  	s17 =	sadd.s32 $0x61A80, s21;
	[dreg:$0x5] =	wrdreg s16  }
0x18: {  	s19 =	sadd.s32 $0x7A120, s21;
	[dreg:$0x6] =	wrdreg s17  }
0x19: {  	s20 =	sadd.s32 $0x927C0, s21;
	[dreg:$0x7] =	wrdreg s19  }
0x1a: {  	s22 =	sadd.s32 $0xAAE60, s21;
	[dreg:$0x8] =	wrdreg s20  }
0x1b: {  	s23 =	sadd.s32 $0xC3500, s21;
	[dreg:$0x9] =	wrdreg s22  }
0x1c: {  	s24 =	sadd.s32 $0xDBBA0, s21;
	[dreg:$0xa] =	wrdreg s23  }
0x1d: {  	s25 =	sadd.s32 $0xF4240, s21;
	[dreg:$0xb] =	wrdreg s24  }
0x1e: {  	s26 =	sadd.s32 $0x10C8E0, s21;
	[dreg:$0xc] =	wrdreg s25  }
0x1f: {  	s28 =	sadd.s32 $0x124F80, s21;
	[dreg:$0xd] =	wrdreg s26  }
0x20: {  	s29 =	sadd.s32 $0x13D620, s21;
	[dreg:$0xe] =	wrdreg s28  }
0x21: {  	s30 =	sadd.s32 $0x155CC0, s21;
	[dreg:$0xf] =	wrdreg s29  }
0x22: {  	s31 =	sadd.s32 $0x16E360, s21;
	[dreg:$0x10] =	wrdreg s30  }
0x23: {  	[dreg:$0x11] =	wrdreg s31  }
0x24: {  	s14 =	simm.s32 $0x580;
	s20 =	rddreg [dreg:$0x12]  }
0x25: {  	s15 =	simm.s32 $0x600;
	[dreg:$0x1d] =	wrdreg s14  }
0x26: {  	s16 =	simm.s32 $0x680;
	[dreg:$0x1e] =	wrdreg s15  }
0x27: {  	s17 =	simm.s32 $0x700;
	[dreg:$0x1f] =	wrdreg s16  }
0x28: {  	s19 =	simm.s32 $0x780;
	[smem:$0x7FC] =	sst s17  }
0x29: {  	s22 =	simm.s32 $0x800;
	[smem:$0x7FD] =	sst s19  }
0x2a: {  	s23 =	simm.s32 $0x2;
	[smem:$0x7FA] =	sst s22  }
0x2b: {  	[tilespmem:s3], [sflag:$0x2] =	stream.linear.gather [hbm4b:s20+s3], $0x10, $0x38;
	[tilespmem:$0x880] =	vst v63  }
0x2c: {  	_ =	swait.ge [sflag:s23], $0x10  }
0x2d: {  	[sflag:s23] =	ssyncset.done $0x0  }
0x2e: {  	[sflag:s23] =	ssyncadd.s32 $0xFFFFFFF0  }
0x2f: {  	v0 =	vld [tilespmem:$0x0];
	_ =	sdelay $0x4  }
0x30: {  	(v2sf) =	vpush v0, $0x8  }
0x31: {  	(v2sf) =	vpush v0, $0x3  }
0x32: {  	(v2sf) =	vpush v0, $0xC  }
0x33: {  	(v2sf) =	vpush v0, $0x0  }
0x34: {  	(v2sf) =	vpush v0, $0x4  }
0x35: {  	(v2sf) =	vpush v0, $0x6  }
0x36: {  	(v2sf) =	vpush v0, $0x7  }
0x37: {  	(v2sf) =	vpush v0, $0x2  }
0x38: {  	(v2sf) =	vpush v0, $0x5  }
0x39: {  	(v2sf) =	vpush v0, $0x9;
	_ =	sdelay $0x1  }
0x3a: {  	(v2sf) =	vpush v0, $0xA  }
0x3b: {  	(v2sf) =	vpush v0, $0xB  }
0x3c: {  	(v2sf) =	vpush v0, $0xE  }
0x3d: {  	(v2sf) =	vpush v0, $0xD  }
0x3e: {  	(v2sf) =	vpush v0, $0xF;
	s0 =	spop (v2sf)  }
0x3f: {  	(v2sf) =	vpush v0, $0x1;
	s16 =	spop (v2sf)  }
0x40: {  	s24 =	sand.u32 $0xF, s0;
	s7 =	spop (v2sf)  }
0x41: {  	v0 =	vlaneseq.u32;
	s4 =	sand.u32 $0xF, s16;
	v2 =	vmov s24;
	s25 =	spop (v2sf)  }
0x42: {  	v1 =	vimm.f32 $0.0e+00;
	v3 =	vmov s4;
	s26 =	sand.u32 $0xF, s7;
	vm0 =	veq.s32 v2, v0;
	s17 =	spop (v2sf)  }
0x43: {  	vm1 =	veq.s32 v3, v0;
	v2 =	vmov s26;
	s28 =	sand.u32 $0xF, s25;
	v3 =	vsel vm0, $0x3F800000, v1;
	s10 =	spop (v2sf)  }
0x44: {  	v4 =	vsel vm1, $0x3F800000, v1;
	vm14 =	veq.s32 v2, v0;
	v2 =	vmov s28;
	[tilespmem:$0x480] =	vst v3;
	s29 =	sand.u32 $0xF, s10;
	s9 =	spop (v2sf)  }
0x45: {  	v3 =	vsel vm14, $0x3F800000, v1;
	vm15 =	veq.s32 v2, v0;
	[tilespmem:$0x200] =	vst v4;
	v2 =	vmov s29;
	s30 =	sand.u32 $0xF, s9;
	s31 =	spop (v2sf)  }
0x46: {  	v55 =	vsel vm15, $0x3F800000, v1;
	[tilespmem:$0x680] =	vst v3;
	s5 =	sand.u32 $0xF, s31;
	vm4 =	veq.s32 v2, v0;
	v2 =	vmov s30;
	s19 =	spop (v2sf)  }
0x47: {  	[tilespmem:$0x80] =	vst v55;
	v3 =	vmov s5;
	s8 =	sand.u32 $0xF, s19;
	v5 =	vsel vm4, $0x3F800000, v1;
	vm5 =	veq.s32 v2, v0;
	s14 =	spop (v2sf)  }
0x48: {  	vm6 =	veq.s32 v3, v0;
	v2 =	vmov s8;
	v3 =	vsel vm5, $0x3F800000, v1;
	s11 =	sand.u32 $0xF, s14;
	[tilespmem:$0x380] =	vst v5  }
0x49: {  	s12 =	sand.u32 $0xF, s17;
	s15 =	spop (v2sf);
	v56 =	vsel vm6, $0x3F800000, v1;
	vm7 =	veq.s32 v2, v0;
	v2 =	vmov s11;
	[tilespmem:$0x400] =	vst v3  }
0x4a: {  	s11 =	spop (v2sf);
	v3 =	vmov s12;
	s12 =	sand.u32 $0xF, s15;
	v57 =	vsel vm7, $0x3F800000, v1;
	vm8 =	veq.s32 v2, v0;
	[tilespmem:$0x180] =	vst v56  }
0x4b: {  	s13 =	sand.u32 $0xF, s11;
	s4 =	spop (v2sf);
	vm9 =	veq.s32 v3, v0;
	v59 =	vmov s12;
	v2 =	vsel vm8, $0x3F800000, v1;
	[tilespmem:$0x300] =	vst v57  }
0x4c: {  	v3 =	vmov s13;
	s8 =	spop (v2sf);
	v58 =	vsel vm9, $0x3F800000, v1;
	vm11 =	veq.s32 v59, v0;
	s13 =	sand.u32 $0xF, s4;
	[tilespmem:$0x500] =	vst v2  }
0x4d: {  	vm10 =	veq.s32 v3, v0;
	s20 =	sand.u32 $0xF, s8;
	s5 =	spop (v2sf);
	[tilespmem:$0x280] =	vst v58;
	v60 =	vsel vm11, $0x3F800000, v1;
	v61 =	vmov s13  }
0x4e: {  	v2 =	vsel vm10, $0x3F800000, v1;
	v3 =	vmov s20;
	s22 =	spop (v2sf);
	vm13 =	veq.s32 v61, v0;
	s20 =	sand.u32 $0xF, s5;
	[tilespmem:$0x580] =	vst v60  }
0x4f: {  	s23 =	sand.u32 $0xF, s22;
	[tilespmem:$0x600] =	vst v2;
	vm12 =	veq.s32 v3, v0;
	v62 =	vsel vm13, $0x3F800000, v1;
	v63 =	vmov s20  }
0x50: {  	s2 =	sand.u32 $0xFFFFFFF0, s25;
	v2 =	vmov s23;
	v3 =	vsel vm12, $0x3F800000, v1;
	vm15 =	veq.s32 v63, v0;
	[tilespmem:$0x780] =	vst v62  }
0x51: {  	s2 =	sadd.s32 s21, s2;
	vm14 =	veq.s32 v2, v0;
	[tilespmem:$0x700] =	vst v3;
	v3 =	vsel vm15, $0x3F800000, v1  }
0x52: {  	s24 =	rddreg [dreg:$0x13];
	s2 =	sshrl.u32 s2, $0x3;
	v2 =	vsel vm14, $0x3F800000, v1;
	[tilespmem:$0x800] =	vst v3  }
0x53: {  	s25 =	rddreg [dreg:$0x3];
	s2 =	sadd.s32 s18, s2;
	s26 =	sand.u32 $0xFFFFFFF0, s22;
	[tilespmem:$0x100] =	vst v2  }
0x54: {  	[hbm4b:s2+s3] =	stream.linear.scatter [tilespmem:s24], [sflag:$0x1], $0x10, $0x38;
	[tilespmem:$0x880] =	vst v63  }
0x55: {  	s29 =	rddreg [dreg:$0x4];
	s1 =	sand.u32 $0xFFFFFFF0, s31;
	s2 =	sadd.s32 s26, s25  }
0x56: {  	s28 =	rddreg [dreg:$0x14];
	s1 =	sadd.s32 s1, s29;
	s2 =	sshrl.u32 s2, $0x3  }
0x57: {  	s30 =	rddreg [dreg:$0x15];
	s1 =	sshrl.u32 s1, $0x3;
	s2 =	sadd.s32 s18, s2  }
0x58: {  	[hbm4b:s2+s3] =	stream.linear.scatter [tilespmem:s28], [sflag:$0x1], $0x10, $0x38;
	[tilespmem:$0x880] =	vst v63  }
0x59: {  	s31 =	rddreg [dreg:$0x5];
	s1 =	sadd.s32 s18, s1;
	s2 =	sand.u32 $0xFFFFFFF0, s16  }
0x5a: {  	[hbm4b:s1+s3] =	stream.linear.scatter [tilespmem:s30], [sflag:$0x1], $0x10, $0x38;
	[tilespmem:$0x880] =	vst v63  }
0x5b: {  	s1 =	sadd.s32 s2, s31  }
0x5c: {  	s13 =	rddreg [dreg:$0x16];
	s1 =	sshrl.u32 s1, $0x3  }
0x5d: {  	s17 =	sand.u32 $0xFFFFFFF0, s17;
	s16 =	rddreg [dreg:$0x6];
	s1 =	sadd.s32 s18, s1  }
0x5e: {  	[hbm4b:s1+s3] =	stream.linear.scatter [tilespmem:s13], [sflag:$0x1], $0x10, $0x38;
	[tilespmem:$0x880] =	vst v63  }
0x5f: {  	[smem:$0x7FB] =	sst s21;
	s1 =	sadd.s32 s17, s16  }
0x60: {  	s21 =	rddreg [dreg:$0x7];
	s1 =	sshrl.u32 s1, $0x3  }
0x61: {  	s20 =	rddreg [dreg:$0x17];
	s22 =	sand.u32 $0xFFFFFFF0, s19;
	s1 =	sadd.s32 s18, s1  }
0x62: {  	[hbm4b:s1+s3] =	stream.linear.scatter [tilespmem:s20], [sflag:$0x1], $0x10, $0x38;
	[tilespmem:$0x880] =	vst v63  }
0x63: {  	s1 =	sadd.s32 s22, s21  }
0x64: {  	s23 =	rddreg [dreg:$0x18];
	s1 =	sshrl.u32 s1, $0x3  }
0x65: {  	s24 =	rddreg [dreg:$0x8];
	s25 =	sand.u32 $0xFFFFFFF0, s10;
	s1 =	sadd.s32 s18, s1  }
0x66: {  	[hbm4b:s1+s3] =	stream.linear.scatter [tilespmem:s23], [sflag:$0x1], $0x10, $0x38;
	[tilespmem:$0x880] =	vst v63  }
0x67: {  	s29 =	sand.u32 $0xFFFFFFF0, s9;
	s9 =	rddreg [dreg:$0xb];
	s1 =	sadd.s32 s25, s24  }
0x68: {  	s26 =	rddreg [dreg:$0x19];
	s1 =	sshrl.u32 s1, $0x3  }
0x69: {  	s28 =	rddreg [dreg:$0x9];
	s1 =	sadd.s32 s18, s1  }
0x6a: {  	[hbm4b:s1+s3] =	stream.linear.scatter [tilespmem:s26], [sflag:$0x1], $0x10, $0x38;
	[tilespmem:$0x880] =	vst v63  }
0x6b: {  	s0 =	sand.u32 $0xFFFFFFF0, s0;
	s31 =	rddreg [dreg:$0xa];
	s1 =	sadd.s32 s29, s28  }
0x6c: {  	s12 =	rddreg [dreg:$0x1c];
	s0 =	sadd.s32 s0, s31;
	s1 =	sshrl.u32 s1, $0x3  }
0x6d: {  	s30 =	rddreg [dreg:$0x1a];
	s0 =	sshrl.u32 s0, $0x3;
	s1 =	sadd.s32 s18, s1  }
0x6e: {  	[hbm4b:s1+s3] =	stream.linear.scatter [tilespmem:s30], [sflag:$0x1], $0x10, $0x38;
	[tilespmem:$0x880] =	vst v63  }
0x6f: {  	s10 =	sand.u32 $0xFFFFFFF0, s14;
	s2 =	rddreg [dreg:$0x1b];
	s0 =	sadd.s32 s18, s0  }
0x70: {  	[hbm4b:s0+s3] =	stream.linear.scatter [tilespmem:s2], [sflag:$0x1], $0x10, $0x38;
	[tilespmem:$0x880] =	vst v63  }
0x71: {  	s19 =	rddreg [dreg:$0x1e];
	s0 =	sadd.s32 s10, s9  }
0x72: {  	s14 =	sand.u32 $0xFFFFFFF0, s15;
	s15 =	rddreg [dreg:$0x1d];
	s0 =	sshrl.u32 s0, $0x3  }
0x73: {  	s31 =	sand.u32 $0xFFFFFFF0, s5;
	s13 =	rddreg [dreg:$0xc];
	s0 =	sadd.s32 s18, s0  }
0x74: {  	[hbm4b:s0+s3] =	stream.linear.scatter [tilespmem:s12], [sflag:$0x1], $0x10, $0x38;
	[tilespmem:$0x880] =	vst v63  }
0x75: {  	s16 =	rddreg [dreg:$0xd];
	s17 =	sand.u32 $0xFFFFFFF0, s11;
	s0 =	sadd.s32 s14, s13  }
0x76: {  	s20 =	rddreg [dreg:$0xe];
	s21 =	sand.u32 $0xFFFFFFF0, s7;
	s0 =	sshrl.u32 s0, $0x3  }
0x77: {  	s22 =	ssub.s32 $0x2, s6;
	s23 =	rddreg [dreg:$0x1f];
	s0 =	sadd.s32 s18, s0  }
0x78: {  	[hbm4b:s0+s3] =	stream.linear.scatter [tilespmem:s15], [sflag:$0x1], $0x10, $0x38;
	[tilespmem:$0x880] =	vst v63  }
0x79: {  	s6 =	sshrl.u32 s22, $0x1;
	s24 =	rddreg [dreg:$0xf];
	s0 =	sadd.s32 s17, s16  }
0x7a: {  	s26 =	rddreg [dreg:$0x10];
	s28 =	sand.u32 $0xFFFFFFF0, s8;
	s0 =	sshrl.u32 s0, $0x3  }
0x7b: {  	s29 =	rddreg [dreg:$0x11];
	s1 =	ssub.s32 s22, s6;
	s0 =	sadd.s32 s18, s0  }
0x7c: {  	[hbm4b:s0+s3] =	stream.linear.scatter [tilespmem:s19], [sflag:$0x1], $0x10, $0x38;
	[tilespmem:$0x880] =	vst v63  }
0x7d: {  	s5 =	sadd.s32 s31, s29;
	s25 =	smax.u32 s1, $0x1;
	s0 =	sadd.s32 s21, s20  }
0x7e: {  	s6 =	simm.s32 $0x1;
	p0 =	sne.s32 s25, $0x1;
	s0 =	sshrl.u32 s0, $0x3  }
.Ltmp1:
0x7f: {  	s30 =	sand.u32 $0xFFFFFFF0, s4;
	s0 =	sadd.s32 s18, s0;
	(pc) =	sbr.rel @!p0 .LBB2_3-.Ltmp1, $4  }
0x80: {  	[hbm4b:s0+s3] =	stream.linear.scatter [tilespmem:s23], [sflag:$0x1], $0x10, $0x38;
	[tilespmem:$0x880] =	vst v63  }
0x81: {  	s4 =	sld [smem:$0x7FC];
	s2 =	sadd.s32 s28, s24;
	s0 =	sadd.s32 s30, s26  }
0x82: {  	s7 =	sadd.s32 $0xFFFFFFFF, s25;
	s2 =	sshrl.u32 s2, $0x3;
	s1 =	sshrl.u32 s0, $0x3  }
0x83: {  	s0 =	sshrl.u32 s5, $0x3;
	s5 =	sadd.s32 s18, s2;
	s2 =	sld [smem:$0x7FD]  }
.LBB2_2:
0x84: {  	[hbm4b:s5+s3] =	stream.linear.scatter [tilespmem:s4], [sflag:$0x1], $0x10, $0x38;
	[tilespmem:$0x880] =	vst v63  }
0x85: {  	s1 =	sadd.s32 s18, s1;
	s28 =	sld [smem:$0x7FA]  }
0x86: {  	[hbm4b:s1+s3] =	stream.linear.scatter [tilespmem:s2], [sflag:$0x1], $0x10, $0x38;
	[tilespmem:$0x880] =	vst v63  }
0x87: {  	s0 =	sadd.s32 s18, s0  }
0x88: {  	[hbm4b:s0+s3] =	stream.linear.scatter [tilespmem:s28], [sflag:$0x1], $0x10, $0x38;
	[tilespmem:$0x880] =	vst v63  }
0x89: {  	_ =	swait.ge [sflag:s6], $0x10  }
0x8a: {  	[sflag:s6] =	ssyncset.done $0x0  }
0x8b: {  	[sflag:s6] =	ssyncadd.s32 $0xFFFFFFF0  }
0x8c: {  	_ =	swait.ge [sflag:s6], $0x10  }
0x8d: {  	[sflag:s6] =	ssyncset.done $0x0  }
0x8e: {  	[sflag:s6] =	ssyncadd.s32 $0xFFFFFFF0  }
0x8f: {  	_ =	swait.ge [sflag:s6], $0x10  }
0x90: {  	[sflag:s6] =	ssyncset.done $0x0  }
0x91: {  	[sflag:s6] =	ssyncadd.s32 $0xFFFFFFF0  }
0x92: {  	_ =	swait.ge [sflag:s6], $0x10  }
0x93: {  	[sflag:s6] =	ssyncset.done $0x0  }
0x94: {  	[sflag:s6] =	ssyncadd.s32 $0xFFFFFFF0  }
0x95: {  	_ =	swait.ge [sflag:s6], $0x10  }
0x96: {  	[sflag:s6] =	ssyncset.done $0x0  }
0x97: {  	[sflag:s6] =	ssyncadd.s32 $0xFFFFFFF0  }
0x98: {  	_ =	swait.ge [sflag:s6], $0x10  }
0x99: {  	[sflag:s6] =	ssyncset.done $0x0  }
0x9a: {  	[sflag:s6] =	ssyncadd.s32 $0xFFFFFFF0  }
0x9b: {  	_ =	swait.ge [sflag:s6], $0x10  }
0x9c: {  	[sflag:s6] =	ssyncset.done $0x0  }
0x9d: {  	[sflag:s6] =	ssyncadd.s32 $0xFFFFFFF0  }
0x9e: {  	_ =	swait.ge [sflag:s6], $0x10  }
0x9f: {  	[sflag:s6] =	ssyncset.done $0x0  }
0xa0: {  	[sflag:s6] =	ssyncadd.s32 $0xFFFFFFF0  }
0xa1: {  	_ =	swait.ge [sflag:s6], $0x10  }
0xa2: {  	[sflag:s6] =	ssyncset.done $0x0  }
0xa3: {  	[sflag:s6] =	ssyncadd.s32 $0xFFFFFFF0  }
0xa4: {  	_ =	swait.ge [sflag:s6], $0x10  }
0xa5: {  	[sflag:s6] =	ssyncset.done $0x0  }
0xa6: {  	[sflag:s6] =	ssyncadd.s32 $0xFFFFFFF0  }
0xa7: {  	_ =	swait.ge [sflag:s6], $0x10  }
0xa8: {  	[sflag:s6] =	ssyncset.done $0x0  }
0xa9: {  	[sflag:s6] =	ssyncadd.s32 $0xFFFFFFF0  }
0xaa: {  	_ =	swait.ge [sflag:s6], $0x10  }
0xab: {  	[sflag:s6] =	ssyncset.done $0x0  }
0xac: {  	[sflag:s6] =	ssyncadd.s32 $0xFFFFFFF0  }
0xad: {  	_ =	swait.ge [sflag:s6], $0x10  }
0xae: {  	[sflag:s6] =	ssyncset.done $0x0  }
0xaf: {  	[sflag:s6] =	ssyncadd.s32 $0xFFFFFFF0  }
0xb0: {  	_ =	swait.ge [sflag:s6], $0x10  }
0xb1: {  	[sflag:s6] =	ssyncset.done $0x0  }
0xb2: {  	[sflag:s6] =	ssyncadd.s32 $0xFFFFFFF0  }
0xb3: {  	_ =	swait.ge [sflag:s6], $0x10  }
0xb4: {  	[sflag:s6] =	ssyncset.done $0x0  }
0xb5: {  	[sflag:s6] =	ssyncadd.s32 $0xFFFFFFF0  }
0xb6: {  	_ =	swait.ge [sflag:s6], $0x10  }
0xb7: {  	[sflag:s6] =	ssyncset.done $0x0  }
0xb8: {  	s30 =	simm.s32 $0x2;
	s29 =	rddreg [dreg:$0x12];
	[sflag:s6] =	ssyncadd.s32 $0xFFFFFFF0  }
0xb9: {  	[tilespmem:s3], [sflag:$0x2] =	stream.linear.gather [hbm4b:s29+s3], $0x10, $0x38;
	[tilespmem:$0x880] =	vst v63  }
0xba: {  	_ =	swait.ge [sflag:s30], $0x10  }
0xbb: {  	s31 =	rddreg [dreg:$0x1b]  }
0xbc: {  	s2 =	rddreg [dreg:$0x1a]  }
0xbd: {  	s4 =	rddreg [dreg:$0xe]  }
0xbe: {  	s5 =	rddreg [dreg:$0x19]  }
0xbf: {  	s8 =	rddreg [dreg:$0xa]  }
0xc0: {  	s9 =	rddreg [dreg:$0x18]  }
0xc1: {  	s10 =	rddreg [dreg:$0x17]  }
0xc2: {  	s11 =	rddreg [dreg:$0x11]  }
0xc3: {  	s12 =	rddreg [dreg:$0x10]  }
0xc4: {  	s13 =	rddreg [dreg:$0x16]  }
0xc5: {  	s19 =	rddreg [dreg:$0xd]  }
0xc6: {  	[sflag:s30] =	ssyncset.done $0x0;
	s14 =	rddreg [dreg:$0x15]  }
0xc7: {  	s20 =	rddreg [dreg:$0x14];
	[sflag:s30] =	ssyncadd.s32 $0xFFFFFFF0  }
0xc8: {  	s21 =	rddreg [dreg:$0xf];
	v2 =	vld [tilespmem:$0x0]  }
0xc9: {  	s24 =	rddreg [dreg:$0x13]  }
0xca: {  	s25 =	rddreg [dreg:$0xc]  }
0xcb: {  	s26 =	rddreg [dreg:$0xb]  }
0xcc: {  	s28 =	rddreg [dreg:$0x9]  }
0xcd: {  	s29 =	rddreg [dreg:$0x3];
	(v2sf) =	vpush v2, $0x8  }
0xce: {  	s16 =	rddreg [dreg:$0x5];
	(v2sf) =	vpush v2, $0x3  }
0xcf: {  	[smem:$0x7F9] =	sst s31;
	(v2sf) =	vpush v2, $0xC  }
0xd0: {  	[smem:$0x7F8] =	sst s2;
	(v2sf) =	vpush v2, $0x0  }
0xd1: {  	[smem:$0x7F7] =	sst s4  }
0xd2: {  	[smem:$0x7F6] =	sst s5;
	(v2sf) =	vpush v2, $0x4  }
0xd3: {  	[smem:$0x7F5] =	sst s8;
	(v2sf) =	vpush v2, $0x6  }
0xd4: {  	[smem:$0x7F4] =	sst s9;
	(v2sf) =	vpush v2, $0x7  }
0xd5: {  	[smem:$0x7F3] =	sst s10;
	(v2sf) =	vpush v2, $0x2  }
0xd6: {  	[smem:$0x7F2] =	sst s11  }
0xd7: {  	[smem:$0x7F1] =	sst s12;
	(v2sf) =	vpush v2, $0x5  }
0xd8: {  	[smem:$0x7F0] =	sst s13  }
0xd9: {  	[smem:$0x7EF] =	sst s14;
	(v2sf) =	vpush v2, $0x9  }
0xda: {  	s30 =	rddreg [dreg:$0x8];
	(v2sf) =	vpush v2, $0xA  }
0xdb: {  	s31 =	rddreg [dreg:$0x6];
	(v2sf) =	vpush v2, $0xB  }
0xdc: {  	p0 =	sne.s32 s7, $0x1;
	s4 =	rddreg [dreg:$0x7];
	(v2sf) =	vpush v2, $0xE;
	s15 =	spop (v2sf)  }
0xdd: {  	s7 =	sadd.s32 $0xFFFFFFFF, s7;
	s8 =	rddreg [dreg:$0x4];
	(v2sf) =	vpush v2, $0xD;
	s17 =	spop (v2sf)  }
0xde: {  	(v2sf) =	vpush v2, $0xF;
	s22 =	sand.u32 $0xFFFFFFF0, s15;
	s0 =	sand.u32 $0xF, s15;
	s23 =	spop (v2sf)  }
0xdf: {  	(v2sf) =	vpush v2, $0x1;
	s9 =	sand.u32 $0xF, s17;
	s2 =	sand.u32 $0xFFFFFFF0, s17;
	s11 =	spop (v2sf)  }
0xe0: {  	v2 =	vmov s9;
	s10 =	sand.u32 $0xF, s23;
	s1 =	sadd.s32 s2, s16;
	s9 =	sand.u32 $0xFFFFFFF0, s11  }
0xe1: {  	v3 =	vmov s0;
	vm0 =	veq.s32 v2, v0;
	v2 =	vmov s10;
	s10 =	spop (v2sf);
	s12 =	sand.u32 $0xF, s11;
	s1 =	sshrl.u32 s1, $0x3  }
0xe2: {  	vm1 =	veq.s32 v3, v0;
	s13 =	sand.u32 $0xF, s10;
	vm15 =	veq.s32 v2, v0;
	s14 =	spop (v2sf);
	v2 =	vmov s12;
	s12 =	sld [smem:$0x7FB]  }
0xe3: {  	v4 =	vsel vm1, $0x3F800000, v1;
	s11 =	sand.u32 $0xF, s14;
	s2 =	sand.u32 $0xFFFFFFF0, s14;
	s0 =	spop (v2sf)  }
0xe4: {  	v3 =	vsel vm0, $0x3F800000, v1;
	[tilespmem:$0x480] =	vst v4;
	v5 =	vmov s13;
	s13 =	sand.u32 $0xFFFFFFF0, s10;
	s15 =	sand.u32 $0xF, s0;
	s16 =	spop (v2sf)  }
0xe5: {  	v6 =	vsel vm15, $0x3F800000, v1;
	vm4 =	veq.s32 v2, v0;
	[tilespmem:$0x200] =	vst v3;
	s13 =	sadd.s32 s13, s31;
	s2 =	sadd.s32 s2, s30;
	s0 =	sand.u32 $0xFFFFFFF0, s0  }
0xe6: {  	vm5 =	veq.s32 v5, v0;
	v2 =	vmov s11;
	v54 =	vsel vm4, $0x3F800000, v1;
	[tilespmem:$0x680] =	vst v6;
	s17 =	sand.u32 $0xF, s16;
	s5 =	sadd.s32 s12, s9;
	s14 =	spop (v2sf)  }
0xe7: {  	vm6 =	veq.s32 v2, v0;
	v2 =	vmov s15;
	[tilespmem:$0x80] =	vst v54;
	s11 =	sand.u32 $0xFFFFFFF0, s16;
	v57 =	vsel vm5, $0x3F800000, v1;
	s31 =	sshrl.u32 s13, $0x3;
	s2 =	sshrl.u32 s2, $0x3  }
0xe8: {  	s0 =	sadd.s32 s0, s28;
	v3 =	vmov s17;
	s12 =	sand.u32 $0xF, s14;
	v55 =	vsel vm6, $0x3F800000, v1;
	vm7 =	veq.s32 v2, v0;
	s10 =	spop (v2sf);
	[tilespmem:$0x280] =	vst v57  }
0xe9: {  	s9 =	sand.u32 $0xFFFFFFF0, s14;
	vm2 =	veq.s32 v3, v0;
	v2 =	vmov s12;
	v3 =	vsel vm7, $0x3F800000, v1;
	s15 =	sand.u32 $0xF, s10;
	[tilespmem:$0x380] =	vst v55;
	s12 =	spop (v2sf)  }
0xea: {  	s8 =	sadd.s32 s11, s8;
	v56 =	vsel vm2, $0x3F800000, v1;
	vm8 =	veq.s32 v2, v0;
	v2 =	vmov s15;
	[tilespmem:$0x400] =	vst v3;
	s16 =	sand.u32 $0xF, s12;
	s11 =	spop (v2sf)  }
0xeb: {  	s4 =	sadd.s32 s9, s4;
	v58 =	vsel vm8, $0x3F800000, v1;
	vm9 =	veq.s32 v2, v0;
	[tilespmem:$0x180] =	vst v56;
	v3 =	vmov s16;
	s14 =	sand.u32 $0xF, s11;
	s9 =	spop (v2sf)  }
0xec: {  	s5 =	sshrl.u32 s5, $0x3;
	v2 =	vsel vm9, $0x3F800000, v1;
	[tilespmem:$0x300] =	vst v58;
	vm10 =	veq.s32 v3, v0;
	v3 =	vmov s14;
	s17 =	sand.u32 $0xF, s9;
	s15 =	spop (v2sf)  }
0xed: {  	s28 =	sadd.s32 s18, s31;
	[tilespmem:$0x500] =	vst v2;
	v2 =	vsel vm10, $0x3F800000, v1;
	vm11 =	veq.s32 v3, v0;
	s16 =	sand.u32 $0xF, s15;
	v3 =	vmov s17;
	s13 =	spop (v2sf)  }
0xee: {  	s31 =	sld [smem:$0x7F3];
	v59 =	vsel vm11, $0x3F800000, v1;
	v60 =	vmov s16;
	vm12 =	veq.s32 v3, v0;
	[tilespmem:$0x580] =	vst v2;
	s14 =	sand.u32 $0xF, s13;
	s16 =	spop (v2sf)  }
0xef: {  	s2 =	sadd.s32 s18, s2;
	s8 =	sshrl.u32 s8, $0x3;
	[tilespmem:$0x600] =	vst v59;
	vm13 =	veq.s32 v60, v0;
	v3 =	vsel vm12, $0x3F800000, v1;
	s17 =	sand.u32 $0xF, s16;
	v61 =	vmov s14  }
0xf0: {  	s10 =	sand.u32 $0xFFFFFFF0, s10;
	s5 =	sadd.s32 s18, s5;
	s4 =	sshrl.u32 s4, $0x3;
	v2 =	vsel vm13, $0x3F800000, v1;
	[tilespmem:$0x780] =	vst v3;
	v62 =	vmov s17;
	vm14 =	veq.s32 v61, v0  }
0xf1: {  	s30 =	sand.u32 $0xFFFFFFF0, s12;
	s11 =	sand.u32 $0xFFFFFFF0, s11;
	s16 =	sand.u32 $0xFFFFFFF0, s16;
	[tilespmem:$0x700] =	vst v2;
	vm15 =	veq.s32 v62, v0;
	v2 =	vsel vm14, $0x3F800000, v1  }
0xf2: {  	s14 =	sadd.s32 s16, s29;
	s29 =	sadd.s32 s10, s26;
	s26 =	sld [smem:$0x7F0];
	v63 =	vsel vm15, $0x3F800000, v1;
	[tilespmem:$0x800] =	vst v2  }
0xf3: {  	s10 =	sadd.s32 s30, s25;
	s30 =	sld [smem:$0x7F2];
	s14 =	sshrl.u32 s14, $0x3;
	[tilespmem:$0x100] =	vst v63  }
0xf4: {  	[hbm4b:s5+s3] =	stream.linear.scatter [tilespmem:s24], [sflag:$0x1], $0x10, $0x38;
	[tilespmem:$0x880] =	vst v63  }
0xf5: {  	s25 =	sand.u32 $0xFFFFFFF0, s13;
	s13 =	sld [smem:$0x7F5];
	s17 =	sadd.s32 s18, s14  }
0xf6: {  	[hbm4b:s17+s3] =	stream.linear.scatter [tilespmem:s20], [sflag:$0x1], $0x10, $0x38;
	[tilespmem:$0x880] =	vst v63  }
0xf7: {  	s15 =	sand.u32 $0xFFFFFFF0, s15;
	s16 =	sshrl.u32 s0, $0x3;
	s20 =	sld [smem:$0x7EF]  }
0xf8: {  	s0 =	sadd.s32 s11, s19;
	s11 =	sadd.s32 s15, s21;
	s15 =	sld [smem:$0x7F6]  }
0xf9: {  	s19 =	sadd.s32 s18, s8;
	s12 =	sshrl.u32 s29, $0x3;
	s29 =	sld [smem:$0x7F1]  }
0xfa: {  	[hbm4b:s19+s3] =	stream.linear.scatter [tilespmem:s20], [sflag:$0x1], $0x10, $0x38;
	[tilespmem:$0x880] =	vst v63  }
0xfb: {  	s21 =	sadd.s32 s18, s1;
	s14 =	sand.u32 $0xFFFFFFF0, s23;
	s23 =	sld [smem:$0x7F9]  }
0xfc: {  	[hbm4b:s21+s3] =	stream.linear.scatter [tilespmem:s26], [sflag:$0x1], $0x10, $0x38;
	[tilespmem:$0x880] =	vst v63  }
0xfd: {  	s4 =	sadd.s32 s18, s4;
	s24 =	sand.u32 $0xFFFFFFF0, s9;
	s9 =	sld [smem:$0x7F4]  }
0xfe: {  	[hbm4b:s28+s3] =	stream.linear.scatter [tilespmem:s31], [sflag:$0x1], $0x10, $0x38;
	[tilespmem:$0x880] =	vst v63  }
0xff: {  	s10 =	sshrl.u32 s10, $0x3;
	s5 =	sadd.s32 s25, s30;
	s25 =	rddreg [dreg:$0x1d]  }
0x100: {  	[hbm4b:s4+s3] =	stream.linear.scatter [tilespmem:s9], [sflag:$0x1], $0x10, $0x38;
	[tilespmem:$0x880] =	vst v63  }
0x101: {  	s8 =	sshrl.u32 s0, $0x3;
	s20 =	sld [smem:$0x7F8];
	s4 =	sadd.s32 s22, s13  }
0x102: {  	[hbm4b:s2+s3] =	stream.linear.scatter [tilespmem:s15], [sflag:$0x1], $0x10, $0x38;
	[tilespmem:$0x880] =	vst v63  }
0x103: {  	s30 =	rddreg [dreg:$0x1f];
	s17 =	sadd.s32 s18, s16;
	s4 =	sshrl.u32 s4, $0x3  }
0x104: {  	[hbm4b:s17+s3] =	stream.linear.scatter [tilespmem:s20], [sflag:$0x1], $0x10, $0x38;
	[tilespmem:$0x880] =	vst v63  }
0x105: {  	s11 =	sshrl.u32 s11, $0x3;
	s19 =	sld [smem:$0x7F7];
	s21 =	sadd.s32 s18, s4  }
0x106: {  	[hbm4b:s21+s3] =	stream.linear.scatter [tilespmem:s23], [sflag:$0x1], $0x10, $0x38;
	[tilespmem:$0x880] =	vst v63  }
0x107: {  	s1 =	sadd.s32 s24, s29;
	s24 =	sadd.s32 s18, s12;
	s22 =	rddreg [dreg:$0x1c]  }
0x108: {  	[hbm4b:s24+s3] =	stream.linear.scatter [tilespmem:s22], [sflag:$0x1], $0x10, $0x38;
	[tilespmem:$0x880] =	vst v63  }
0x109: {  	s0 =	sshrl.u32 s5, $0x3;
	s29 =	sadd.s32 s18, s8;
	s26 =	sadd.s32 s18, s10  }
0x10a: {  	[hbm4b:s26+s3] =	stream.linear.scatter [tilespmem:s25], [sflag:$0x1], $0x10, $0x38;
	[tilespmem:$0x880] =	vst v63  }
.Ltmp2:
0x10b: {  	s5 =	sadd.s32 s14, s19;
	s28 =	rddreg [dreg:$0x1e];
	(pc) =	sbr.rel @p0 .LBB2_2-.Ltmp2, $4  }
0x10c: {  	s1 =	sshrl.u32 s1, $0x3;
	s5 =	sshrl.u32 s5, $0x3;
	s4 =	sld [smem:$0x7FC]  }
0x10d: {  	[hbm4b:s29+s3] =	stream.linear.scatter [tilespmem:s28], [sflag:$0x1], $0x10, $0x38;
	[tilespmem:$0x880] =	vst v63  }
0x10e: {  	s31 =	sadd.s32 s18, s5;
	s5 =	sadd.s32 s18, s11;
	s2 =	sld [smem:$0x7FD]  }
0x10f: {  	[hbm4b:s31+s3] =	stream.linear.scatter [tilespmem:s30], [sflag:$0x1], $0x10, $0x38;
	[tilespmem:$0x880] =	vst v63  }
.LBB2_3:
0x110: {  	[hbm4b:s5+s3] =	stream.linear.scatter [tilespmem:s4], [sflag:$0x1], $0x10, $0x38;
	[tilespmem:$0x880] =	vst v63  }
0x111: {  	s1 =	sadd.s32 s18, s1;
	s31 =	sld [smem:$0x7FA]  }
0x112: {  	[hbm4b:s1+s3] =	stream.linear.scatter [tilespmem:s2], [sflag:$0x1], $0x10, $0x38;
	[tilespmem:$0x880] =	vst v63  }
0x113: {  	s0 =	sadd.s32 s18, s0  }
0x114: {  	[hbm4b:s0+s3] =	stream.linear.scatter [tilespmem:s31], [sflag:$0x1], $0x10, $0x38;
	[tilespmem:$0x880] =	vst v63  }
0x115: {  	_ =	swait.ge [sflag:s6], $0x10  }
0x116: {  	[sflag:s6] =	ssyncset.done $0x0  }
0x117: {  	[sflag:s6] =	ssyncadd.s32 $0xFFFFFFF0  }
0x118: {  	_ =	swait.ge [sflag:s6], $0x10  }
0x119: {  	[sflag:s6] =	ssyncset.done $0x0  }
0x11a: {  	[sflag:s6] =	ssyncadd.s32 $0xFFFFFFF0  }
0x11b: {  	_ =	swait.ge [sflag:s6], $0x10  }
0x11c: {  	[sflag:s6] =	ssyncset.done $0x0  }
0x11d: {  	[sflag:s6] =	ssyncadd.s32 $0xFFFFFFF0  }
0x11e: {  	_ =	swait.ge [sflag:s6], $0x10  }
0x11f: {  	[sflag:s6] =	ssyncset.done $0x0  }
0x120: {  	[sflag:s6] =	ssyncadd.s32 $0xFFFFFFF0  }
0x121: {  	_ =	swait.ge [sflag:s6], $0x10  }
0x122: {  	[sflag:s6] =	ssyncset.done $0x0  }
0x123: {  	[sflag:s6] =	ssyncadd.s32 $0xFFFFFFF0  }
0x124: {  	_ =	swait.ge [sflag:s6], $0x10  }
0x125: {  	[sflag:s6] =	ssyncset.done $0x0  }
0x126: {  	[sflag:s6] =	ssyncadd.s32 $0xFFFFFFF0  }
0x127: {  	_ =	swait.ge [sflag:s6], $0x10  }
0x128: {  	[sflag:s6] =	ssyncset.done $0x0  }
0x129: {  	[sflag:s6] =	ssyncadd.s32 $0xFFFFFFF0  }
0x12a: {  	_ =	swait.ge [sflag:s6], $0x10  }
0x12b: {  	[sflag:s6] =	ssyncset.done $0x0  }
0x12c: {  	[sflag:s6] =	ssyncadd.s32 $0xFFFFFFF0  }
0x12d: {  	_ =	swait.ge [sflag:s6], $0x10  }
0x12e: {  	[sflag:s6] =	ssyncset.done $0x0  }
0x12f: {  	[sflag:s6] =	ssyncadd.s32 $0xFFFFFFF0  }
0x130: {  	_ =	swait.ge [sflag:s6], $0x10  }
0x131: {  	[sflag:s6] =	ssyncset.done $0x0  }
0x132: {  	[sflag:s6] =	ssyncadd.s32 $0xFFFFFFF0  }
0x133: {  	_ =	swait.ge [sflag:s6], $0x10  }
0x134: {  	[sflag:s6] =	ssyncset.done $0x0  }
0x135: {  	[sflag:s6] =	ssyncadd.s32 $0xFFFFFFF0  }
0x136: {  	_ =	swait.ge [sflag:s6], $0x10  }
0x137: {  	[sflag:s6] =	ssyncset.done $0x0  }
0x138: {  	[sflag:s6] =	ssyncadd.s32 $0xFFFFFFF0  }
0x139: {  	_ =	swait.ge [sflag:s6], $0x10  }
0x13a: {  	[sflag:s6] =	ssyncset.done $0x0  }
0x13b: {  	[sflag:s6] =	ssyncadd.s32 $0xFFFFFFF0  }
0x13c: {  	_ =	swait.ge [sflag:s6], $0x10  }
0x13d: {  	[sflag:s6] =	ssyncset.done $0x0  }
0x13e: {  	[sflag:s6] =	ssyncadd.s32 $0xFFFFFFF0  }
0x13f: {  	_ =	swait.ge [sflag:s6], $0x10  }
0x140: {  	[sflag:s6] =	ssyncset.done $0x0  }
0x141: {  	[sflag:s6] =	ssyncadd.s32 $0xFFFFFFF0  }
0x142: {  	_ =	swait.ge [sflag:s6], $0x10  }
0x143: {  	[sflag:s6] =	ssyncset.done $0x0  }
0x144: {  	[sflag:s6] =	ssyncadd.s32 $0xFFFFFFF0  }
0x145: {  	s2 =	stileid.u32;
	s1 =	rddreg [dreg:$0x2]  }
.LBB2_4:
0x146: {  	_ =	sfence.sel $0x180000  }
0x147: {  	[bflag:$0x0] =	sbarrier.arrive $0xFFFF  }
0x148: {  	p0 =	sne.s32 s2, $0x0;
	_ =	strace $0x90000047  }
0x149: {  	s0 =	sadd.s32 @!p0 $0x100000, s1;
	[bflag:$0x2] =	sbarrier.arrive $0xFFFF  }
0x14a: {  	[sflag:s0] =	ssyncadd.tile.s32 @!p0 $0x1;
	_ =	shalt  }
.Lfunc_end2:
_tile_overlayer_lowered:
.L_overlay_start_2:
0x14b: {  	(tag) =	ssettag $0x2  }
0x14c: {  	s0 =	rddreg [dreg:$0x0];
	s2 =	stileid.u32  }
0x14d: {  	s1 =	rddreg [dreg:$0x1];
	p0 =	sne.s32 s2, $0x0  }
0x14e: {  	s3 =	rddreg [dreg:$0x2];
	[bflag:$0x3] =	sbarrier.arrive $0xFFFF;
	s2 =	simm.s32 @!p0 $0x1C02  }
0x14f: {  	[timem:s3], [sflag:s2] =	dma.local @!p0 [hbm:s0], s1  }
0x150: {  	s0 =	simm.s32 @!p0 $0x2  }
0x151: {  	_ =	swait.ge @!p0 [sflag:s0], s1  }
0x152: {  	s1 =	ssub.s32 @!p0 $0x0, s1;
	[sflag:s0] =	ssyncset.done @!p0 $0x0  }
0x153: {  	[sflag:s0] =	ssyncadd.s32 @!p0 s1  }
0x154: {  	[bflag:$0x3] =	sbarrier.arrive $0xFFFF  }
0x155: {  	_ =	shalt  }

// kernel: sparse-core-data-format-call.cloned.1.call-start
scs
called_computation_lowered:
.L_overlay_start_0:
0x0: {  	s2 =	sld [smem:$0x3FD9]  }
0x1: {  	s3 =	sld [smem:$0x3FFE];
	_ =	sdelay $0x1  }
0x2: {  	s1 =	srdreg.scid  }
0x3: {  	s0 =	sand.u32 $0x1, s1  }
0x4: {  	s18 =	sshll.u32 s0, $0xA;
	s2 =	sadd.s32 s3, s2  }
0x5: {  	s2 =	sadd.s32 s2, s18  }
0x6: {  	[smem:$0x3FC7] =	sst s2  }
0x7: {  	_ = 	snop  }
0x8: {  	s2 =	sld [smem:$0x3FD0];
	(tm) =	ssettm $0x1  }
0x9: {  	s19 =	sld [smem:$0x3FFB];
	_ =	sdelay $0x3  }
0xa: {  	_ =	strace s19  }
0xb: {  	s3 =	sld [smem:$0x3FFC];
	_ =	sdelay $0x3  }
0xc: {  	_ =	strace s3  }
0xd: {  	s3 =	sld [smem:$0x3FFD];
	_ =	sdelay $0x3  }
0xe: {  	_ =	strace s3  }
0xf: {  	_ =	strace $0x8FFFFFFF  }
0x10: {  	s20 =	sld [smem:$0x3FDB];
	_ =	sdelay $0x1  }
0x11: {  	s4 =	simm.s32 $_scs_section_size  }
0x12: {  	s5 =	simm.s32 $_size__tile_overlayer_lowered;
	s6 =	simm.s32 $_tile_overlayer_lowered  }
0x13: {  	s23 =	simm.s32 $0x1BFF;
	s22 =	sshll.u32 s6, $0x1;
	s3 =	sadd.s32 s4, s20  }
0x14: {  	s7 =	simm.s32 $0x0;
	s21 =	sshll.u32 s5, $0x1;
	s5 =	sadd.s32 s22, s3  }
0x15: {  	[timem:s7], [sflag:s23] =	dma.local [hbm:s5], s21  }
0x16: {  	_ =	swait.ge [sflag:s23], s21  }
0x17: {  	s4 =	ssub.s32 $0x0, s21;
	[sflag:s23] =	ssyncset.done $0x0  }
0x18: {  	[sflag:s23] =	ssyncadd.s32 s4;
	_ =	sdelay $0x1  }
0x19: {  	s24 =	simm.s32 $0x1B8B  }
0x1a: {  	_ =	swait.ge [sflag:s24], $0x1  }
0x1b: {  	[sflag:s24] =	ssyncset.done $0x0  }
0x1c: {  	s26 =	simm.s32 $0x1B8E;
	s25 =	sld [smem:$0x3FFE];
	[sflag:s24] =	ssyncadd.s32 $0xFFFFFFFF  }
0x1d: {  	s27 =	simm.s32 $execute0_lowered;
	[smem:$0x3FD2] =	sst s26  }
0x1e: {  	s5 =	sshll.u32 s27, $0x1;
	_ =	strace $0x80000049;
	[dreg:$0x1] =	wrdreg $0xFFFFFFFF  }
0x1f: {  	s28 =	simm.s32 $_size_execute0_lowered;
	s3 =	sadd.s32 s3, s5;
	[dreg:$0x0] =	wrdreg $0x0  }
0x20: {  	s5 =	sshll.u32 s28, $0x1;
	[dreg:$0x2] =	wrdreg s3  }
0x21: {  	[dreg:$0x3] =	wrdreg s5  }
0x22: {  	[dreg:$0x4] =	wrdreg $0xC0  }
0x23: {  	_ =	task [dreg:s7], $0x5FFFF  }
0x24: {  	[dreg:$0x1] =	wrdreg $0xFFFFFFFF  }
0x25: {  	[dreg:$0x0] =	wrdreg $0x60  }
0x26: {  	[dreg:$0x2] =	wrdreg s25  }
0x27: {  	[dreg:$0x3] =	wrdreg s2  }
0x28: {  	[dreg:$0x4] =	wrdreg $0x9  }
0x29: {  	_ =	task.clear_ibuf [dreg:s7], $0x5FFFF;
	_ =	strace $0x90000049  }
0x2a: {  	s29 =	simm.s32 $0x9;
	_ =	strace $0x8000004B  }
0x2b: {  	_ =	swait.ge [sflag:s29], $0x1  }
0x2c: {  	[sflag:s29] =	ssyncadd.s32 $0xFFFFFFFF  }
0x2d: {  	_ =	strace $0x9000004B  }
0x2e: {  	_ =	sfence  }
0x2f: {  	s30 =	sld [smem:$0x0];
	_ =	sdelay $0x2  }
0x30: {  	s31 =	sshll.u32 s1, $0xD;
	s1 =	sshrl.u32 s1, $0x2  }
0x31: {  	s3 =	sand.u32 $0x4000, s31;
	s1 =	sadd.s32 s1, s30  }
0x32: {  	s0 =	sor.u32 s3, s0;
	s1 =	sshll.u32 s1, $0x11  }
0x33: {  	s0 =	sor.u32 s1, s0  }
0x34: {  	s0 =	sadd.s32 $0x8F2B, s0  }
0x35: {  	[sflag:s0] =	ssyncadd.remote.s32 $0x1  }
0x36: {  	_ =	sfence.sel $0xFFFF  }
0x37: {  	[dreg:$0x0] =	wrdreg $0xFFFFFFFF;
	(pc) =	sbr.abs _section_cstart, $3  }
0x38: {  	[dreg:$0x1] =	wrdreg $0xFFFFFFFF  }
0x39: {  	_ =	task.clear_ibuf [dreg:s7], $0x2FFFF;
	_ =	strace $0x9FFFFFFF  }
0x3a: {  	(tm) =	ssettm $0x7FFFFFFF  }
0x3b: {  	_ =	shalt  }
tec
execute0_lowered:
.L_overlay_start_1:
0x0: {  	(tag) =	ssettag $0x1  }
0x1: {  	s4 =	rddreg [dreg:$0x0]  }
0x2: {  	s0 =	srdreg.scid;
	s2 =	rddreg [dreg:$0x1]  }
0x3: {  	s1 =	stileid.u32;
	s5 =	simm.s32 $0x1;
	s7 =	simm.s32 $0x2  }
0x4: {  	s14 =	simm.s32 $0x0;
	p0 =	por $0x0, $0x0;
	s0 =	sshll.u32 s0, $0x4  }
0x5: {  	s13 =	simm.s32 $0x0;
	s8 =	simm.s32 $0x0;
	s3 =	sand.u32 $0x10, s0  }
.Ltmp0:
0x6: {  	s9 =	simm.s32 $0x0;
	s3 =	sor.u32 s1, s3;
	(pc) =	sbr.rel .LBB1_1-.Ltmp0, $4  }
0x7: {  	s11 =	simm.s32 $0x0;
	s12 =	simm.s32 $0x0;
	s3 =	sshll.u32 s3, $0x7  }
0x8: {  	s0 =	rddreg [dreg:$0x2];
	_ =	strace $0x8000004A;
	s6 =	ssub.s32 $0x18680, s3  }
0x9: {  	s4 =	sadd.s32 $0x600, s4;
	[sflag:s5] =	ssyncpa.u1 $0x0;
	s6 =	sshrl.u32 s6, $0xC  }
0xa: {  	[sflag:s7] =	ssyncpa.u1 $0x0;
	s10 =	smov.u32 s3;
	s7 =	sadd.s32 $0x2, s6  }
.LBB1_5:
0xb: {  	p1 =	slt.u32 s12, $0x2  }
0xc: {  	p2 =	sgt.s32 @!p1 s14, $0x18620  }
0xd: {  	s15 =	smov.u32 s14;
	s16 =	sshra.s32 @!p1 s14, $0x1F;
	p2 =	por !p2, p1  }
0xe: {  	s14 =	sand.u32 @!p1 s16, s14;
	s15 =	simm.s32 @p2 $0x18620  }
0xf: {  	s14 =	ssub.s32 @!p1 s15, s14;
	s15 =	ssub.s32 @!p1 $0x0, s13  }
0x10: {  	s17 =	smov.u32 s11;
	s16 =	sadd.s32 @!p1 $0xFFFE79E0, s14;
	s13 =	smin.u32 @!p1 s13, s15  }
0x11: {  	s14 =	ssub.s32 @!p1 $0x186A0, s14;
	p2 =	sgt.s32 @!p1 s16, $0x7F;
	p3 =	sgt.s32 @!p1 s13, $0x7F  }
0x12: {  	s13 =	ssub.s32 @!p1 $0x80, s13;
	p2 =	por !p2, p1;
	p3 =	por !p3, p1  }
0x13: {  	s15 =	sadd.s32 $0x1000, s10;
	s14 =	simm.s32 @!p2 $0x0;
	s13 =	simm.s32 @!p3 $0x0  }
0x14: {  	p2 =	sgt.s32 s15, $0x1869F;
	s13 =	smul.u32 @!p1 s13, s14;
	s14 =	sadd.s32 $0x80, s11  }
0x15: {  	s17 =	smov.u32 @p2 s14  }
0x16: {  	s15 =	smov.u32 @p2 s3;
	p2 =	sgt.s32 s17, $0x7F  }
0x17: {  	s17 =	simm.s32 @p2 $0x0;
	p2 =	sne.s32 s12, s7  }
.Ltmp1:
0x18: {  	p0 =	por !p0, !p0;
	s16 =	simm.s32 @!p1 $0x2;
	(pc) =	sbr.rel @!p2 .LBB1_6-.Ltmp1, $4  }
0x19: {  	s14 =	smov.u32 s8;
	s8 =	smov.u32 s10;
	s13 =	sand.u32 @!p1 $0x3FFFFFFF, s13  }
0x1a: {  	s10 =	smov.u32 s15;
	_ =	swait.ge @!p1 [sflag:s16], s13;
	s18 =	ssub.s32 @!p1 $0x0, s13  }
0x1b: {  	s13 =	smov.u32 s9;
	s12 =	sadd.s32 $0x1, s12;
	[sflag:s16] =	ssyncset.done @!p1 $0x0  }
0x1c: {  	s9 =	smov.u32 s11;
	s11 =	smov.u32 s17;
	[sflag:s16] =	ssyncadd.s32 @!p1 s18  }
.LBB1_1:
0x1d: {  	p1 =	sgt.u32 s12, s6  }
0x1e: {  	s15 =	sshrl.u32 @!p1 s11, $0x3  }
0x1f: {  	s16 =	sshll.u32 @!p1 s10, $0x3;
	s15 =	smul.u32 @!p1 $0xC3800, s15  }
0x20: {  	s17 =	sshll.u32 @!p1 s11, $0x7;
	s16 =	sand.u32 @!p1 $0xFFFFFC00, s16  }
0x21: {  	s15 =	sadd.s32 @!p1 s15, s16;
	s16 =	sand.u32 @!p1 $0x380, s17  }
0x22: {  	s17 =	sand.u32 @!p1 $0x7F, s10;
	s15 =	sor.u32 @!p1 s16, s15  }
0x23: {  	s16 =	sor.u32 @!p1 s17, s15  }
0x24: {  	s17 =	smulhi.u32 @!p1 $0xA79C7B17, s16;
	_ =	sdelay $0x1  }
0x25: {  	s15 =	smulhi.u32 @!p1 $0xA79C7B17, s15;
	s17 =	sshrl.u32 @!p1 s17, $0x10  }
0x26: {  	s17 =	smul.u32 @!p1 $0x18700, s17  }
0x27: {  	s18 =	sxor.u32 @!p1 $0xFFFFFFFF, s12;
	s15 =	sshrl.u32 @!p1 s15, $0x10  }
0x28: {  	s18 =	sshll.u32 @!p1 s18, $0xE;
	s15 =	sand.u32 @!p1 $0x7F, s15;
	s16 =	ssub.s32 @!p1 s16, s17  }
0x29: {  	s15 =	smul.u32 @!p1 $0x30E0, s15;
	s17 =	sshrl.u32 @!p1 s16, $0x3;
	s16 =	sand.u32 @!p1 $0x7, s16  }
0x2a: {  	s18 =	sand.u32 @!p1 $0x4000, s18;
	s17 =	sadd.s32 @!p1 s4, s17;
	s16 =	sshll.u32 @!p1 s16, $0x12  }
0x2b: {  	s15 =	sadd.s32 @!p1 s15, s17;
	s16 =	sor.u32 @!p1 $0x400, s16;
	s17 =	simm.s32 @!p1 $0xC3800  }
0x2c: {  	[tilespmem:s18], [sflag:$0x1] =	stream.strided.gather @!p1 [hbm4b:s15+s16], $0x4000, s17, s16, $0x38;
	[tilespmem:$0x10100] =	vst v63  }
0x2d: {  	p1 =	seq.s32 s12, $0x0  }
0x2e: {  	p2 =	sge.u32 @!p1 s12, s7  }
0x2f: {  	p1 =	por p1, p2  }
.Ltmp2:
0x30: {  	_ = 	snop;
	(pc) =	sbr.rel @p1 .LBB1_5-.Ltmp2, $1  }
0x31: {  	_ =	sdelay $0x3  }
0x32: {  	s15 =	simm.s32 $0x1  }
0x33: {  	_ =	swait.ge [sflag:s5], $0x4000;
	s15 =	simm.s32 @!p0 $0x0  }
0x34: {  	[sflag:s5] =	ssyncset.done $0x0;
	s16 =	sshll.u32 s15, $0xE  }
0x35: {  	[sflag:s5] =	ssyncadd.s32 $0xFFFFC000;
	s16 =	sor.u32 $0x40, s16  }
0x36: {  	s15 =	smul.u32 $0x10200, s15;
	v0 =	vld [tilespmem:s16+$0x30]  }
0x37: {  	v1 =	vld [tilespmem:s16+$0xFFFFFFD0]  }
0x38: {  	s15 =	sshrl.u32 s15, $0x2;
	v5 =	vld [tilespmem:s16+$0xFFFFFFE0]  }
0x39: {  	v6 =	vld [tilespmem:s16+$0xFFFFFFF0];
	s18 =	sor.u32 $0x8000, s15  }
0x3a: {  	s31 =	sand.u32 $0x1, s12;
	v4 =	vld [tilespmem:s16+$0x0];
	s17 =	sadd.s32 $0x0, s18  }
0x3b: {  	v3 =	vld [tilespmem:s16+$0x10];
	s15 =	smul.u32 $0x10200, s31;
	[tilespmem:s17+$0x3870 ss:$0x81] =	vst.msk $0xffff, v0  }
0x3c: {  	v2 =	vld [tilespmem:s16+$0x20];
	[tilespmem:s17+$0x810 ss:$0x81] =	vst.msk $0xffff, v1  }
0x3d: {  	s15 =	sshrl.u32 s15, $0x2;
	v0 =	vld [tilespmem:s16+$0xFFFFFFC0];
	[tilespmem:s17+$0x1020 ss:$0x81] =	vst.msk $0xffff, v5;
	s16 =	sadd.s32 $0x80, s16  }
0x3e: {  	s19 =	simm.s32 $0x4;
	s20 =	simm.s32 $0x8;
	s15 =	sor.u32 $0x8000, s15;
	[tilespmem:s17+$0x1830 ss:$0x81] =	vst.msk $0xffff, v6;
	v1 =	vld [tilespmem:s16+$0x30]  }
.LBB1_3:
0x3f: {  	p1 =	sne.s32 s20, $0x1FC;
	v5 =	vld [tilespmem:s16+$0xFFFFFFD0];
	[tilespmem:s17+$0x2040 ss:$0x81] =	vst.msk $0xffff, v4  }
0x40: {  	v6 =	vld [tilespmem:s16+$0xFFFFFFE0];
	[tilespmem:s17+$0x2850 ss:$0x81] =	vst.msk $0xffff, v3  }
0x41: {  	s21 =	sshra.s32 s19, $0x2;
	s19 =	smov.u32 s20;
	v7 =	vld [tilespmem:s16+$0xFFFFFFF0];
	[tilespmem:s17+$0x3060 ss:$0x81] =	vst.msk $0xffff, v2  }
.Ltmp3:
0x42: {  	v4 =	vld [tilespmem:s16+$0x0];
	[tilespmem:s17+$0x0 ss:$0x81] =	vst.msk $0xffff, v0;
	s17 =	sadd.s32 s21, s18;
	(pc) =	sbr.rel @p1 .LBB1_3-.Ltmp3, $4  }
0x43: {  	v3 =	vld [tilespmem:s16+$0x10];
	[tilespmem:s17+$0x3870 ss:$0x81] =	vst.msk $0xffff, v1  }
0x44: {  	[tilespmem:s17+$0x810 ss:$0x81] =	vst.msk $0xffff, v5;
	v2 =	vld [tilespmem:s16+$0x20]  }
0x45: {  	v0 =	vld [tilespmem:s16+$0xFFFFFFC0];
	[tilespmem:s17+$0x1020 ss:$0x81] =	vst.msk $0xffff, v6;
	s16 =	sadd.s32 $0x80, s16  }
0x46: {  	s20 =	sadd.s32 $0x4, s20;
	v1 =	vld [tilespmem:s16+$0x30];
	[tilespmem:s17+$0x1830 ss:$0x81] =	vst.msk $0xffff, v7  }
0x47: {  	s20 =	sshll.u32 s8, $0x7;
	s21 =	sshll.u32 s9, $0x3;
	s19 =	sshra.s32 s19, $0x2  }
0x48: {  	v5 =	vld [tilespmem:s16+$0xFFFFFFD0];
	[tilespmem:s17+$0x2040 ss:$0x81] =	vst.msk $0xffff, v4;
	p1 =	sgt.s32 s8, $0x18620;
	s22 =	sand.u32 $0xFFFFFC00, s20;
	s21 =	sand.u32 $0xFFFFFC00, s21  }
0x49: {  	v58 =	vld [tilespmem:s16+$0xFFFFFFE0];
	s24 =	sshra.s32 s8, $0x1F;
	s20 =	sand.u32 $0x380, s20;
	[tilespmem:s17+$0x2850 ss:$0x81] =	vst.msk $0xffff, v3;
	s21 =	sadd.s32 s21, s22  }
0x4a: {  	v59 =	vld [tilespmem:s16+$0xFFFFFFF0];
	s26 =	ssub.s32 $0x0, s9;
	s18 =	sadd.s32 s19, s18;
	[tilespmem:s17+$0x3060 ss:$0x81] =	vst.msk $0xffff, v2;
	s23 =	sor.u32 s20, s21  }
0x4b: {  	v60 =	vld [tilespmem:s16+$0x0];
	s28 =	smin.u32 s9, s26;
	s20 =	smov.u32 s8;
	[tilespmem:s17+$0x0 ss:$0x81] =	vst.msk $0xffff, v0;
	s19 =	sshrl.u32 s23, $0x7  }
0x4c: {  	v61 =	vld [tilespmem:s16+$0x10];
	s21 =	sand.u32 s24, s8;
	s20 =	simm.s32 @!p1 $0x18620;
	[tilespmem:s18+$0x3870 ss:$0x81] =	vst.msk $0xffff, v1;
	s25 =	smulhi.u32 $0x14F8B59, s19  }
0x4d: {  	v62 =	vld [tilespmem:s16+$0x20];
	s29 =	sshrl.u32 s9, $0x3;
	p2 =	sgt.s32 s28, $0x7F;
	s20 =	ssub.s32 s20, s21;
	[tilespmem:s18+$0x810 ss:$0x81] =	vst.msk $0xffff, v5  }
0x4e: {  	v63 =	vld [tilespmem:s16+$0xFFFFFFC0];
	[tilespmem:s18+$0x1020 ss:$0x81] =	vst.msk $0xffff, v58;
	s21 =	sadd.s32 $0xFFFE79E0, s20;
	s20 =	ssub.s32 $0x186A0, s20;
	s17 =	sshrl.u32 s25, $0x9  }
0x4f: {  	[tilespmem:s18+$0x1830 ss:$0x81] =	vst.msk $0xffff, v59;
	p1 =	sgt.s32 s21, $0x7F;
	s27 =	smul.u32 $0x186A0, s17;
	s17 =	ssub.s32 $0x80, s28  }
.Ltmp4:
0x50: {  	[tilespmem:s18+$0x2040 ss:$0x81] =	vst.msk $0xffff, v60;
	s20 =	simm.s32 @p1 $0x0;
	s17 =	simm.s32 @p2 $0x0;
	(pc) =	sbr.rel .LBB1_5-.Ltmp4, $4  }
0x51: {  	s30 =	sand.u32 $0xF, s29;
	[tilespmem:s18+$0x2850 ss:$0x81] =	vst.msk $0xffff, v61;
	s16 =	ssub.s32 s19, s27;
	s17 =	smul.u32 s17, s20  }
0x52: {  	[tilespmem:s18+$0x3060 ss:$0x81] =	vst.msk $0xffff, v62;
	s19 =	sadd.s32 s2, s30;
	s16 =	sshll.u32 s16, $0x4  }
0x53: {  	s31 =	sand.u32 $0x7, s9;
	[tilespmem:s18+$0x0 ss:$0x81] =	vst.msk $0xffff, v63;
	s17 =	sand.u32 $0x3FFFFFFF, s17;
	s16 =	sadd.s32 s16, s19  }
0x54: {  	[hbm4b:s16+s31] =	stream.linear.scatter [tilespmem:s15], [sflag:$0x2], s17, $0x20;
	[tilespmem:$0x10100] =	vst v63  }
.LBB1_6:
0x55: {  	_ =	sfence.sel $0x180000  }
0x56: {  	s2 =	simm.s32 $0x1;
	[bflag:$0x0] =	sbarrier.arrive $0xFFFF  }
0x57: {  	s31 =	simm.s32 $0x2;
	[sflag:s2] =	ssyncpa.u1 $0x1  }
0x58: {  	[sflag:s31] =	ssyncpa.u1 $0x1  }
0x59: {  	p0 =	sne.s32 s1, $0x0;
	_ =	strace $0x9000004A  }
0x5a: {  	s0 =	sadd.s32 @!p0 $0x100000, s0;
	[bflag:$0x2] =	sbarrier.arrive $0xFFFF  }
0x5b: {  	[sflag:s0] =	ssyncadd.tile.s32 @!p0 $0x1;
	_ =	shalt  }
.Lfunc_end1:
_tile_overlayer_lowered:
.L_overlay_start_2:
0x5c: {  	(tag) =	ssettag $0x2  }
0x5d: {  	s0 =	rddreg [dreg:$0x0];
	s2 =	stileid.u32  }
0x5e: {  	s1 =	rddreg [dreg:$0x1];
	p0 =	sne.s32 s2, $0x0  }
0x5f: {  	s3 =	rddreg [dreg:$0x2];
	[bflag:$0x3] =	sbarrier.arrive $0xFFFF;
	s2 =	simm.s32 @!p0 $0x1C01  }
0x60: {  	[timem:s3], [sflag:s2] =	dma.local @!p0 [hbm:s0], s1  }
0x61: {  	s0 =	simm.s32 @!p0 $0x1  }
0x62: {  	_ =	swait.ge @!p0 [sflag:s0], s1  }
0x63: {  	s1 =	ssub.s32 @!p0 $0x0, s1;
	[sflag:s0] =	ssyncset.done @!p0 $0x0  }
0x64: {  	[sflag:s0] =	ssyncadd.s32 @!p0 s1  }
0x65: {  	[bflag:$0x3] =	sbarrier.arrive $0xFFFF  }
0x66: {  	_ =	shalt  }

</sc_bundles>
